<compile_context>
chip_gen: v7x
topology: tpu7x:2x2x1
jax: 0.10.2.dev20260603
libtpu: 0.0.44.dev20260713+nightly
codegen_flags: <defaults>
</compile_context>

<pallas_src>
import functools

import jax
import jax.numpy as jnp
from jax import lax
from jax.experimental import pallas as pl
from jax.experimental.pallas import tpu as pltpu
from jax.experimental.pallas import tpu_sc as plsc

B, K, C, NPOINT = 16, 16384, 256, 4096
L = 16
HALF = NPOINT // 2
CPW = C // 2
NBUF = 4
NOBUF = 2
UNROLL = 16


def _sc_gather_kernel(xyzt_hbm, feat_hbm, idx_hbm, oxyzt_hbm, ofeat_hbm,
                      idx_v, oxyzt_v,
                      row0_v, row1_v, row2_v, row3_v, orow0_v, orow1_v,
                      sem_xyz, sem_in, sem_out):
    rows = (row0_v, row1_v, row2_v, row3_v)
    orows = (orow0_v, orow1_v)

    cid = lax.axis_index("c")
    sid = lax.axis_index("s")
    wid = sid * 2 + cid
    b = wid // 2
    h = wid % 2
    c0 = h * CPW

    pltpu.sync_copy(idx_hbm.at[b], idx_v)

    xyz_in = []
    for comp in range(3):
        cp = pltpu.make_async_copy(xyzt_hbm.at[b * 3 + comp], rows[comp],
                                   sem_xyz)
        cp.start()
        xyz_in.append(cp)
    pltpu.make_async_copy(feat_hbm.at[b, c0 + 3], rows[3],
                          sem_in.at[3]).start()

    for cp in xyz_in:
        cp.wait()

    def xyz_body(j, carry):
        for k in range(4):
            base = j * 4 * L + k * L
            idxv = idx_v[pl.ds(h * HALF + base, L)]
            for comp in range(3):
                vals = plsc.load_gather(rows[comp], [idxv])
                oxyzt_v[pl.ds(comp * HALF + base, L)] = vals
        return carry

    lax.fori_loop(0, HALF // (4 * L), xyz_body, 0)
    oxyz_out = []
    for comp in range(3):
        cp = pltpu.make_async_copy(
            oxyzt_v.at[pl.ds(comp * HALF, HALF)],
            oxyzt_hbm.at[b * 3 + comp, pl.ds(h * HALF, HALF)], sem_xyz)
        cp.start()
        oxyz_out.append(cp)

    for u in range(3):
        pltpu.make_async_copy(feat_hbm.at[b, c0 + u], rows[u],
                              sem_in.at[u]).start()

    def feat_round(g, carry):
        for u in range(NBUF):
            r = g * NBUF + u
            c = c0 + r
            o = u % NOBUF
            pltpu.make_async_copy(feat_hbm.at[b, c], rows[u],
                                  sem_in.at[u]).wait()

            def _wait_out():
                pltpu.make_async_copy(orows[o], ofeat_hbm.at[b, c],
                                      sem_out.at[o]).wait()
            if u < NOBUF:
                pl.when(g > 0)(_wait_out)
            else:
                _wait_out()

            rowref = rows[u]
            orowref = orows[o]

            def gat(i, carry2):
                for k in range(UNROLL):
                    off = i * (UNROLL * L) + k * L
                    idxv = idx_v[pl.ds(off, L)]
                    orowref[pl.ds(off, L)] = plsc.load_gather(rowref, [idxv])
                return carry2

            lax.fori_loop(0, NPOINT // (UNROLL * L), gat, 0)

            @pl.when(r + NBUF < CPW)
            def _():
                pltpu.make_async_copy(feat_hbm.at[b, c + NBUF], rows[u],
                                      sem_in.at[u]).start()

            pltpu.make_async_copy(orows[o], ofeat_hbm.at[b, c],
                                  sem_out.at[o]).start()
        return carry

    lax.fori_loop(0, CPW // NBUF, feat_round, 0)

    for o in range(NOBUF):
        pltpu.make_async_copy(orows[o], ofeat_hbm.at[b, c0 + CPW - NOBUF + o],
                              sem_out.at[o]).wait()
    for cp in oxyz_out:
        cp.wait()


@jax.jit
def _sc_gather(xyz, features, sample_inds):
    mesh = plsc.VectorSubcoreMesh(core_axis_name="c", subcore_axis_name="s")
    kfn = functools.partial(
        pl.kernel,
        mesh=mesh,
        compiler_params=pltpu.CompilerParams(needs_layout_passes=False),
        out_type=[
            jax.ShapeDtypeStruct((B * 3, NPOINT), jnp.float32),
            jax.ShapeDtypeStruct((B, C, NPOINT), jnp.float32),
        ],
        scratch_types=[
            pltpu.VMEM((NPOINT,), jnp.int32),
            pltpu.VMEM((3 * HALF,), jnp.float32),
            pltpu.VMEM((K,), jnp.float32),
            pltpu.VMEM((K,), jnp.float32),
            pltpu.VMEM((K,), jnp.float32),
            pltpu.VMEM((K,), jnp.float32),
            pltpu.VMEM((NPOINT,), jnp.float32),
            pltpu.VMEM((NPOINT,), jnp.float32),
            pltpu.SemaphoreType.DMA,
            pltpu.SemaphoreType.DMA((NBUF,)),
            pltpu.SemaphoreType.DMA((NOBUF,)),
        ],
    )(_sc_gather_kernel)
    xyzt = jnp.swapaxes(xyz, 1, 2).reshape(B * 3, K)
    oxyzt, ofeat = kfn(xyzt, features, sample_inds)
    return jnp.swapaxes(oxyzt.reshape(B, 3, NPOINT), 1, 2), ofeat


def kernel(xyz, features, sample_inds):
    new_xyz, new_features = _sc_gather(xyz, features, sample_inds)
    return (new_xyz, new_features, sample_inds)

# --- scband reference (transcript-rebuilt; emitter-appended) ---
"""Pipeline reference for scband-general-sampling-module-3272765080274 (READ-ONLY COPY).

The authoritative reference and input builder live on the scoring server;
editing this copy changes nothing except your own understanding.
"""

import jax, jax.numpy as jnp
import numpy as np


def setup_inputs(seed: int = 0) -> dict:
    key = jax.random.key(seed)
    k1, k2, k3 = jax.random.split(key, 3)
    B, K, C, npoint = 16, 16384, 256, 4096
    xyz = jax.random.normal(k1, (B, K, 3), dtype=jnp.float32)
    features = jax.random.normal(k2, (B, C, K), dtype=jnp.float32)
    sample_inds = jax.random.randint(k3, (B, npoint), 0, K, dtype=jnp.int32)
    return {"xyz": xyz, "features": features, "sample_inds": sample_inds}


def reference(xyz, features, sample_inds):
    # gather_operation(features (B,C,K), idx (B,npoint)) -> (B,C,npoint)
    # xyz path: transpose to (B,3,K), gather, transpose back -> (B,npoint,3)
    # which is equivalent to gathering along the point axis of xyz directly.
    new_xyz = jnp.take_along_axis(xyz, sample_inds[:, :, None].astype(jnp.int32), axis=1)
    new_features = jnp.take_along_axis(features, sample_inds[:, None, :].astype(jnp.int32), axis=2)
    return (new_xyz, new_features, sample_inds)

if __name__ == "__main__":
    import jax
    _d = setup_inputs()
    print(jax.jit(kernel)(*tuple(_d.values())))

</pallas_src>

<mosaic_0001>
#map = affine_map<(d0, d1) -> (0, 0)>
#map1 = affine_map<(d0, d1) -> (0, 0, 0)>
module attributes {stable_mosaic.version = 14 : i64} {
  func.func @_sc_gather_kernel(%arg0: i32, %arg1: i32, %arg2: memref<48x16384xf32, #tpu.memory_space<hbm>>, %arg3: memref<16x256x16384xf32, #tpu.memory_space<hbm>>, %arg4: memref<16x4096xi32, #tpu.memory_space<hbm>>, %arg5: memref<48x4096xf32, #tpu.memory_space<hbm>>, %arg6: memref<16x256x4096xf32, #tpu.memory_space<hbm>>, %arg7: memref<4096xi32, #tpu.memory_space<vmem>>, %arg8: memref<6144xf32, #tpu.memory_space<vmem>>, %arg9: memref<16384xf32, #tpu.memory_space<vmem>>, %arg10: memref<16384xf32, #tpu.memory_space<vmem>>, %arg11: memref<16384xf32, #tpu.memory_space<vmem>>, %arg12: memref<16384xf32, #tpu.memory_space<vmem>>, %arg13: memref<4096xf32, #tpu.memory_space<vmem>>, %arg14: memref<4096xf32, #tpu.memory_space<vmem>>, %arg15: memref<!tpu.dma_semaphore, #tpu.memory_space<semaphore_mem>>, %arg16: memref<4x!tpu.dma_semaphore, #tpu.memory_space<semaphore_mem>>, %arg17: memref<2x!tpu.dma_semaphore, #tpu.memory_space<semaphore_mem>>) attributes {dimension_semantics = [#tpu.dimension_semantics<core_parallel>, #tpu.dimension_semantics<subcore_parallel>], iteration_bounds = array<i64: 2, 16>, scalar_prefetch = 0 : i64, scratch_operands = 11 : i64, tpu.core_type = #tpu.core_type<sc_vector_subcore>, window_params = [{transform_indices = #map}, {transform_indices = #map1}, {transform_indices = #map}, {transform_indices = #map}, {transform_indices = #map1}]} {
    %mul3A = arith.constant 2 : i32
    %mul3A_0 = arith.muli %arg1, %mul3A : i32
    %add3A = arith.addi %mul3A_0, %arg0 : i32
    %jit3A = arith.constant 2 : i32
    %div3A = arith.divsi %add3A, %jit3A : i32
    %sign3A = arith.constant 0 : i32
    %sign3A_1 = arith.cmpi sgt, %add3A, %sign3A : i32
    %sign3A_2 = arith.extui %sign3A_1 : i1 to i32
    %sign3A_3 = arith.constant 0 : i32
    %sign3A_4 = arith.cmpi slt, %add3A, %sign3A_3 : i32
    %sign3A_5 = arith.extui %sign3A_4 : i1 to i32
    %sign3A_6 = arith.subi %sign3A_2, %sign3A_5 : i32
    %sign3A_7 = arith.constant 0 : i32
    %sign3A_8 = arith.cmpi sgt, %jit3A, %sign3A_7 : i32
    %sign3A_9 = arith.extui %sign3A_8 : i1 to i32
    %sign3A_10 = arith.constant 0 : i32
    %sign3A_11 = arith.cmpi slt, %jit3A, %sign3A_10 : i32
    %sign3A_12 = arith.extui %sign3A_11 : i1 to i32
    %sign3A_13 = arith.subi %sign3A_9, %sign3A_12 : i32
    %ne3A = arith.cmpi ne, %sign3A_6, %sign3A_13 : i32
    %rem3A = arith.remsi %add3A, %jit3A : i32
    %ne3A_14 = arith.constant 0 : i32
    %ne3A_15 = arith.cmpi ne, %rem3A, %ne3A_14 : i32
    %and3A = arith.andi %ne3A, %ne3A_15 : i1
    %sub3A = arith.constant 1 : i32
    %sub3A_16 = arith.subi %div3A, %sub3A : i32
    %select_n3A = arith.select %and3A, %sub3A_16, %div3A : i32
    %jit3A_17 = arith.constant 2 : i32
    %eq3A = arith.constant 0 : i32
    %eq3A_18 = arith.cmpi eq, %jit3A_17, %eq3A : i32
    %jit3A_19 = arith.constant 1 : i32
    %select_n3A_20 = arith.select %eq3A_18, %jit3A_19, %jit3A_17 : i32
    %rem3A_21 = arith.remsi %add3A, %select_n3A_20 : i32
    %ne3A_22 = arith.constant 0 : i32
    %ne3A_23 = arith.cmpi ne, %rem3A_21, %ne3A_22 : i32
    %lt3A = arith.constant 0 : i32
    %lt3A_24 = arith.cmpi slt, %rem3A_21, %lt3A : i32
    %lt3A_25 = arith.constant 0 : i32
    %lt3A_26 = arith.cmpi slt, %select_n3A_20, %lt3A_25 : i32
    %ne3A_27 = arith.xori %lt3A_24, %lt3A_26 : i1
    %and3A_28 = arith.andi %ne3A_27, %ne3A_23 : i1
    %add3A_29 = arith.addi %rem3A_21, %select_n3A_20 : i32
    %select_n3A_30 = arith.select %and3A_28, %add3A_29, %rem3A_21 : i32
    %mul3A_31 = arith.constant 128 : i32
    %mul3A_32 = arith.muli %select_n3A_30, %mul3A_31 : i32
    "tpu.region"() ({
      %run_scoped3A = tpu.sem_alloc : memref<!tpu.dma_semaphore, #tpu.memory_space<semaphore_mem>>
      %dma_start3A_230 = arith.constant 0 : i32
      %dma_start3A_231 = tpu.memref_slice %arg4[%select_n3A, %dma_start3A_230] : memref<16x4096xi32, #tpu.memory_space<hbm>> -> memref<1x4096xi32, #tpu.memory_space<hbm>>
      %dma_start3A_232 = tpu.memref_squeeze %dma_start3A_231 : memref<1x4096xi32, #tpu.memory_space<hbm>> -> memref<4096xi32, #tpu.memory_space<hbm>>
      %dma_start3A_233 = arith.constant 0 : i32
      %dma_start3A_234 = tpu.memref_slice %arg4[%select_n3A, %dma_start3A_233] : memref<16x4096xi32, #tpu.memory_space<hbm>> -> memref<1x4096xi32, #tpu.memory_space<hbm>>
      %dma_start3A_235 = tpu.memref_squeeze %dma_start3A_234 : memref<1x4096xi32, #tpu.memory_space<hbm>> -> memref<4096xi32, #tpu.memory_space<hbm>>
      tpu.enqueue_dma source(%dma_start3A_235 : memref<4096xi32, #tpu.memory_space<hbm>>) target(%arg7 : memref<4096xi32, #tpu.memory_space<vmem>>) target_semaphore(%run_scoped3A : memref<!tpu.dma_semaphore, #tpu.memory_space<semaphore_mem>>)
      %dma_wait3A_236 = arith.constant 0 : i32
      %dma_wait3A_237 = tpu.memref_slice %arg4[%select_n3A, %dma_wait3A_236] : memref<16x4096xi32, #tpu.memory_space<hbm>> -> memref<1x4096xi32, #tpu.memory_space<hbm>>
      %dma_wait3A_238 = tpu.memref_squeeze %dma_wait3A_237 : memref<1x4096xi32, #tpu.memory_space<hbm>> -> memref<4096xi32, #tpu.memory_space<hbm>>
      %dma_wait3A_239 = arith.constant 0 : i32
      %dma_wait3A_240 = tpu.memref_slice %arg4[%select_n3A, %dma_wait3A_239] : memref<16x4096xi32, #tpu.memory_space<hbm>> -> memref<1x4096xi32, #tpu.memory_space<hbm>>
      %dma_wait3A_241 = tpu.memref_squeeze %dma_wait3A_240 : memref<1x4096xi32, #tpu.memory_space<hbm>> -> memref<4096xi32, #tpu.memory_space<hbm>>
      tpu.wait_dma2 semaphore(%run_scoped3A : memref<!tpu.dma_semaphore, #tpu.memory_space<semaphore_mem>>) src(%dma_wait3A_241 : memref<4096xi32, #tpu.memory_space<hbm>>) dst(%arg7 : memref<4096xi32, #tpu.memory_space<vmem>>)
      tpu.yield
    }) : () -> ()
    %mul3A_33 = arith.constant 3 : i32
    %mul3A_34 = arith.muli %select_n3A, %mul3A_33 : i32
    %add3A_35 = arith.constant 0 : i32
    %add3A_36 = arith.addi %mul3A_34, %add3A_35 : i32
    %dma_start3A = arith.constant 0 : i32
    %dma_start3A_37 = tpu.memref_slice %arg2[%add3A_36, %dma_start3A] : memref<48x16384xf32, #tpu.memory_space<hbm>> -> memref<1x16384xf32, #tpu.memory_space<hbm>>
    %dma_start3A_38 = tpu.memref_squeeze %dma_start3A_37 : memref<1x16384xf32, #tpu.memory_space<hbm>> -> memref<16384xf32, #tpu.memory_space<hbm>>
    %dma_start3A_39 = arith.constant 0 : i32
    %dma_start3A_40 = tpu.memref_slice %arg2[%add3A_36, %dma_start3A_39] : memref<48x16384xf32, #tpu.memory_space<hbm>> -> memref<1x16384xf32, #tpu.memory_space<hbm>>
    %dma_start3A_41 = tpu.memref_squeeze %dma_start3A_40 : memref<1x16384xf32, #tpu.memory_space<hbm>> -> memref<16384xf32, #tpu.memory_space<hbm>>
    tpu.enqueue_dma source(%dma_start3A_41 : memref<16384xf32, #tpu.memory_space<hbm>>) target(%arg9 : memref<16384xf32, #tpu.memory_space<vmem>>) target_semaphore(%arg15 : memref<!tpu.dma_semaphore, #tpu.memory_space<semaphore_mem>>)
    %mul3A_42 = arith.constant 3 : i32
    %mul3A_43 = arith.muli %select_n3A, %mul3A_42 : i32
    %add3A_44 = arith.constant 1 : i32
    %add3A_45 = arith.addi %mul3A_43, %add3A_44 : i32
    %dma_start3A_46 = arith.constant 0 : i32
    %dma_start3A_47 = tpu.memref_slice %arg2[%add3A_45, %dma_start3A_46] : memref<48x16384xf32, #tpu.memory_space<hbm>> -> memref<1x16384xf32, #tpu.memory_space<hbm>>
    %dma_start3A_48 = tpu.memref_squeeze %dma_start3A_47 : memref<1x16384xf32, #tpu.memory_space<hbm>> -> memref<16384xf32, #tpu.memory_space<hbm>>
    %dma_start3A_49 = arith.constant 0 : i32
    %dma_start3A_50 = tpu.memref_slice %arg2[%add3A_45, %dma_start3A_49] : memref<48x16384xf32, #tpu.memory_space<hbm>> -> memref<1x16384xf32, #tpu.memory_space<hbm>>
    %dma_start3A_51 = tpu.memref_squeeze %dma_start3A_50 : memref<1x16384xf32, #tpu.memory_space<hbm>> -> memref<16384xf32, #tpu.memory_space<hbm>>
    tpu.enqueue_dma source(%dma_start3A_51 : memref<16384xf32, #tpu.memory_space<hbm>>) target(%arg10 : memref<16384xf32, #tpu.memory_space<vmem>>) target_semaphore(%arg15 : memref<!tpu.dma_semaphore, #tpu.memory_space<semaphore_mem>>)
    %mul3A_52 = arith.constant 3 : i32
    %mul3A_53 = arith.muli %select_n3A, %mul3A_52 : i32
    %add3A_54 = arith.constant 2 : i32
    %add3A_55 = arith.addi %mul3A_53, %add3A_54 : i32
    %dma_start3A_56 = arith.constant 0 : i32
    %dma_start3A_57 = tpu.memref_slice %arg2[%add3A_55, %dma_start3A_56] : memref<48x16384xf32, #tpu.memory_space<hbm>> -> memref<1x16384xf32, #tpu.memory_space<hbm>>
    %dma_start3A_58 = tpu.memref_squeeze %dma_start3A_57 : memref<1x16384xf32, #tpu.memory_space<hbm>> -> memref<16384xf32, #tpu.memory_space<hbm>>
    %dma_start3A_59 = arith.constant 0 : i32
    %dma_start3A_60 = tpu.memref_slice %arg2[%add3A_55, %dma_start3A_59] : memref<48x16384xf32, #tpu.memory_space<hbm>> -> memref<1x16384xf32, #tpu.memory_space<hbm>>
    %dma_start3A_61 = tpu.memref_squeeze %dma_start3A_60 : memref<1x16384xf32, #tpu.memory_space<hbm>> -> memref<16384xf32, #tpu.memory_space<hbm>>
    tpu.enqueue_dma source(%dma_start3A_61 : memref<16384xf32, #tpu.memory_space<hbm>>) target(%arg11 : memref<16384xf32, #tpu.memory_space<vmem>>) target_semaphore(%arg15 : memref<!tpu.dma_semaphore, #tpu.memory_space<semaphore_mem>>)
    %add3A_62 = arith.constant 3 : i32
    %add3A_63 = arith.addi %mul3A_32, %add3A_62 : i32
    %dma_start3A_64 = arith.constant 3 : i32
    %dma_start3A_65 = arith.constant 0 : i32
    %dma_start3A_66 = tpu.memref_slice %arg3[%select_n3A, %add3A_63, %dma_start3A_65] : memref<16x256x16384xf32, #tpu.memory_space<hbm>> -> memref<1x1x16384xf32, #tpu.memory_space<hbm>>
    %dma_start3A_67 = tpu.memref_squeeze %dma_start3A_66 : memref<1x1x16384xf32, #tpu.memory_space<hbm>> -> memref<16384xf32, #tpu.memory_space<hbm>>
    %dma_start3A_68 = tpu.memref_slice %arg16[%dma_start3A_64] : memref<4x!tpu.dma_semaphore, #tpu.memory_space<semaphore_mem>> -> memref<1x!tpu.dma_semaphore, #tpu.memory_space<semaphore_mem>>
    %dma_start3A_69 = tpu.memref_squeeze %dma_start3A_68 : memref<1x!tpu.dma_semaphore, #tpu.memory_space<semaphore_mem>> -> memref<!tpu.dma_semaphore, #tpu.memory_space<semaphore_mem>>
    %dma_start3A_70 = arith.constant 0 : i32
    %dma_start3A_71 = tpu.memref_slice %arg3[%select_n3A, %add3A_63, %dma_start3A_70] : memref<16x256x16384xf32, #tpu.memory_space<hbm>> -> memref<1x1x16384xf32, #tpu.memory_space<hbm>>
    %dma_start3A_72 = tpu.memref_squeeze %dma_start3A_71 : memref<1x1x16384xf32, #tpu.memory_space<hbm>> -> memref<16384xf32, #tpu.memory_space<hbm>>
    tpu.enqueue_dma source(%dma_start3A_72 : memref<16384xf32, #tpu.memory_space<hbm>>) target(%arg12 : memref<16384xf32, #tpu.memory_space<vmem>>) target_semaphore(%dma_start3A_69 : memref<!tpu.dma_semaphore, #tpu.memory_space<semaphore_mem>>)
    %dma_wait3A = arith.constant 0 : i32
    %dma_wait3A_73 = tpu.memref_slice %arg2[%add3A_36, %dma_wait3A] : memref<48x16384xf32, #tpu.memory_space<hbm>> -> memref<1x16384xf32, #tpu.memory_space<hbm>>
    %dma_wait3A_74 = tpu.memref_squeeze %dma_wait3A_73 : memref<1x16384xf32, #tpu.memory_space<hbm>> -> memref<16384xf32, #tpu.memory_space<hbm>>
    %dma_wait3A_75 = arith.constant 0 : i32
    %dma_wait3A_76 = tpu.memref_slice %arg2[%add3A_36, %dma_wait3A_75] : memref<48x16384xf32, #tpu.memory_space<hbm>> -> memref<1x16384xf32, #tpu.memory_space<hbm>>
    %dma_wait3A_77 = tpu.memref_squeeze %dma_wait3A_76 : memref<1x16384xf32, #tpu.memory_space<hbm>> -> memref<16384xf32, #tpu.memory_space<hbm>>
    tpu.wait_dma2 semaphore(%arg15 : memref<!tpu.dma_semaphore, #tpu.memory_space<semaphore_mem>>) src(%dma_wait3A_77 : memref<16384xf32, #tpu.memory_space<hbm>>) dst(%arg9 : memref<16384xf32, #tpu.memory_space<vmem>>)
    %dma_wait3A_78 = arith.constant 0 : i32
    %dma_wait3A_79 = tpu.memref_slice %arg2[%add3A_45, %dma_wait3A_78] : memref<48x16384xf32, #tpu.memory_space<hbm>> -> memref<1x16384xf32, #tpu.memory_space<hbm>>
    %dma_wait3A_80 = tpu.memref_squeeze %dma_wait3A_79 : memref<1x16384xf32, #tpu.memory_space<hbm>> -> memref<16384xf32, #tpu.memory_space<hbm>>
    %dma_wait3A_81 = arith.constant 0 : i32
    %dma_wait3A_82 = tpu.memref_slice %arg2[%add3A_45, %dma_wait3A_81] : memref<48x16384xf32, #tpu.memory_space<hbm>> -> memref<1x16384xf32, #tpu.memory_space<hbm>>
    %dma_wait3A_83 = tpu.memref_squeeze %dma_wait3A_82 : memref<1x16384xf32, #tpu.memory_space<hbm>> -> memref<16384xf32, #tpu.memory_space<hbm>>
    tpu.wait_dma2 semaphore(%arg15 : memref<!tpu.dma_semaphore, #tpu.memory_space<semaphore_mem>>) src(%dma_wait3A_83 : memref<16384xf32, #tpu.memory_space<hbm>>) dst(%arg10 : memref<16384xf32, #tpu.memory_space<vmem>>)
    %dma_wait3A_84 = arith.constant 0 : i32
    %dma_wait3A_85 = tpu.memref_slice %arg2[%add3A_55, %dma_wait3A_84] : memref<48x16384xf32, #tpu.memory_space<hbm>> -> memref<1x16384xf32, #tpu.memory_space<hbm>>
    %dma_wait3A_86 = tpu.memref_squeeze %dma_wait3A_85 : memref<1x16384xf32, #tpu.memory_space<hbm>> -> memref<16384xf32, #tpu.memory_space<hbm>>
    %dma_wait3A_87 = arith.constant 0 : i32
    %dma_wait3A_88 = tpu.memref_slice %arg2[%add3A_55, %dma_wait3A_87] : memref<48x16384xf32, #tpu.memory_space<hbm>> -> memref<1x16384xf32, #tpu.memory_space<hbm>>
    %dma_wait3A_89 = tpu.memref_squeeze %dma_wait3A_88 : memref<1x16384xf32, #tpu.memory_space<hbm>> -> memref<16384xf32, #tpu.memory_space<hbm>>
    tpu.wait_dma2 semaphore(%arg15 : memref<!tpu.dma_semaphore, #tpu.memory_space<semaphore_mem>>) src(%dma_wait3A_89 : memref<16384xf32, #tpu.memory_space<hbm>>) dst(%arg11 : memref<16384xf32, #tpu.memory_space<vmem>>)
    %scan3A = arith.constant 0 : i32
    %scan3A_90 = arith.constant 0 : i32
    %scan3A_91 = arith.constant 32 : i32
    %scan3A_92 = arith.addi %scan3A_90, %scan3A_91 : i32
    %scan3A_93 = arith.constant 1 : i32
    scf.for %scan3A_230 = %scan3A_90 to %scan3A_92 step %scan3A_93  : i32 {
      %mul3A_231 = arith.constant 4 : i32
      %mul3A_232 = arith.muli %scan3A_230, %mul3A_231 : i32
      %mul3A_233 = arith.constant 16 : i32
      %mul3A_234 = arith.muli %mul3A_232, %mul3A_233 : i32
      %add3A_235 = arith.constant 0 : i32
      %add3A_236 = arith.addi %mul3A_234, %add3A_235 : i32
      %mul3A_237 = arith.constant 2048 : i32
      %mul3A_238 = arith.muli %select_n3A_30, %mul3A_237 : i32
      %add3A_239 = arith.addi %mul3A_238, %add3A_236 : i32
      %get3A = arith.index_cast %add3A_239 : i32 to index
      %get3A_240 = tpu.vector_load %arg7[%get3A] {strides = array<i32>} : memref<4096xi32, #tpu.memory_space<vmem>>, vector<16xi32>,
      %gather3A = tpu.vector_load_idx %arg9[%get3A_240] : memref<16384xf32, #tpu.memory_space<vmem>>[vector<16xi32>], vector<16xf32>,
      %add3A_241 = arith.constant 0 : i32
      %add3A_242 = arith.addi %add3A_241, %add3A_236 : i32
      %swap3A = arith.index_cast %add3A_242 : i32 to index
      %swap3A_243 = tpu.vector_load %arg8[%swap3A] {strides = array<i32>} : memref<6144xf32, #tpu.memory_space<vmem>>, vector<16xf32>,
      tpu.vector_store %arg8[%swap3A], %gather3A {strides = array<i32>} : memref<6144xf32, #tpu.memory_space<vmem>>, vector<16xf32>,
      %gather3A_244 = tpu.vector_load_idx %arg10[%get3A_240] : memref<16384xf32, #tpu.memory_space<vmem>>[vector<16xi32>], vector<16xf32>,
      %add3A_245 = arith.constant 2048 : i32
      %add3A_246 = arith.addi %add3A_245, %add3A_236 : i32
      %swap3A_247 = arith.index_cast %add3A_246 : i32 to index
      %swap3A_248 = tpu.vector_load %arg8[%swap3A_247] {strides = array<i32>} : memref<6144xf32, #tpu.memory_space<vmem>>, vector<16xf32>,
      tpu.vector_store %arg8[%swap3A_247], %gather3A_244 {strides = array<i32>} : memref<6144xf32, #tpu.memory_space<vmem>>, vector<16xf32>,
      %gather3A_249 = tpu.vector_load_idx %arg11[%get3A_240] : memref<16384xf32, #tpu.memory_space<vmem>>[vector<16xi32>], vector<16xf32>,
      %add3A_250 = arith.constant 4096 : i32
      %add3A_251 = arith.addi %add3A_250, %add3A_236 : i32
      %swap3A_252 = arith.index_cast %add3A_251 : i32 to index
      %swap3A_253 = tpu.vector_load %arg8[%swap3A_252] {strides = array<i32>} : memref<6144xf32, #tpu.memory_space<vmem>>, vector<16xf32>,
      tpu.vector_store %arg8[%swap3A_252], %gather3A_249 {strides = array<i32>} : memref<6144xf32, #tpu.memory_space<vmem>>, vector<16xf32>,
      %mul3A_254 = arith.constant 4 : i32
      %mul3A_255 = arith.muli %scan3A_230, %mul3A_254 : i32
      %mul3A_256 = arith.constant 16 : i32
      %mul3A_257 = arith.muli %mul3A_255, %mul3A_256 : i32
      %add3A_258 = arith.constant 16 : i32
      %add3A_259 = arith.addi %mul3A_257, %add3A_258 : i32
      %mul3A_260 = arith.constant 2048 : i32
      %mul3A_261 = arith.muli %select_n3A_30, %mul3A_260 : i32
      %add3A_262 = arith.addi %mul3A_261, %add3A_259 : i32
      %get3A_263 = arith.index_cast %add3A_262 : i32 to index
      %get3A_264 = tpu.vector_load %arg7[%get3A_263] {strides = array<i32>} : memref<4096xi32, #tpu.memory_space<vmem>>, vector<16xi32>,
      %gather3A_265 = tpu.vector_load_idx %arg9[%get3A_264] : memref<16384xf32, #tpu.memory_space<vmem>>[vector<16xi32>], vector<16xf32>,
      %add3A_266 = arith.constant 0 : i32
      %add3A_267 = arith.addi %add3A_266, %add3A_259 : i32
      %swap3A_268 = arith.index_cast %add3A_267 : i32 to index
      %swap3A_269 = tpu.vector_load %arg8[%swap3A_268] {strides = array<i32>} : memref<6144xf32, #tpu.memory_space<vmem>>, vector<16xf32>,
      tpu.vector_store %arg8[%swap3A_268], %gather3A_265 {strides = array<i32>} : memref<6144xf32, #tpu.memory_space<vmem>>, vector<16xf32>,
      %gather3A_270 = tpu.vector_load_idx %arg10[%get3A_264] : memref<16384xf32, #tpu.memory_space<vmem>>[vector<16xi32>], vector<16xf32>,
      %add3A_271 = arith.constant 2048 : i32
      %add3A_272 = arith.addi %add3A_271, %add3A_259 : i32
      %swap3A_273 = arith.index_cast %add3A_272 : i32 to index
      %swap3A_274 = tpu.vector_load %arg8[%swap3A_273] {strides = array<i32>} : memref<6144xf32, #tpu.memory_space<vmem>>, vector<16xf32>,
      tpu.vector_store %arg8[%swap3A_273], %gather3A_270 {strides = array<i32>} : memref<6144xf32, #tpu.memory_space<vmem>>, vector<16xf32>,
      %gather3A_275 = tpu.vector_load_idx %arg11[%get3A_264] : memref<16384xf32, #tpu.memory_space<vmem>>[vector<16xi32>], vector<16xf32>,
      %add3A_276 = arith.constant 4096 : i32
      %add3A_277 = arith.addi %add3A_276, %add3A_259 : i32
      %swap3A_278 = arith.index_cast %add3A_277 : i32 to index
      %swap3A_279 = tpu.vector_load %arg8[%swap3A_278] {strides = array<i32>} : memref<6144xf32, #tpu.memory_space<vmem>>, vector<16xf32>,
      tpu.vector_store %arg8[%swap3A_278], %gather3A_275 {strides = array<i32>} : memref<6144xf32, #tpu.memory_space<vmem>>, vector<16xf32>,
      %mul3A_280 = arith.constant 4 : i32
      %mul3A_281 = arith.muli %scan3A_230, %mul3A_280 : i32
      %mul3A_282 = arith.constant 16 : i32
      %mul3A_283 = arith.muli %mul3A_281, %mul3A_282 : i32
      %add3A_284 = arith.constant 32 : i32
      %add3A_285 = arith.addi %mul3A_283, %add3A_284 : i32
      %mul3A_286 = arith.constant 2048 : i32
      %mul3A_287 = arith.muli %select_n3A_30, %mul3A_286 : i32
      %add3A_288 = arith.addi %mul3A_287, %add3A_285 : i32
      %get3A_289 = arith.index_cast %add3A_288 : i32 to index
      %get3A_290 = tpu.vector_load %arg7[%get3A_289] {strides = array<i32>} : memref<4096xi32, #tpu.memory_space<vmem>>, vector<16xi32>,
      %gather3A_291 = tpu.vector_load_idx %arg9[%get3A_290] : memref<16384xf32, #tpu.memory_space<vmem>>[vector<16xi32>], vector<16xf32>,
      %add3A_292 = arith.constant 0 : i32
      %add3A_293 = arith.addi %add3A_292, %add3A_285 : i32
      %swap3A_294 = arith.index_cast %add3A_293 : i32 to index
      %swap3A_295 = tpu.vector_load %arg8[%swap3A_294] {strides = array<i32>} : memref<6144xf32, #tpu.memory_space<vmem>>, vector<16xf32>,
      tpu.vector_store %arg8[%swap3A_294], %gather3A_291 {strides = array<i32>} : memref<6144xf32, #tpu.memory_space<vmem>>, vector<16xf32>,
      %gather3A_296 = tpu.vector_load_idx %arg10[%get3A_290] : memref<16384xf32, #tpu.memory_space<vmem>>[vector<16xi32>], vector<16xf32>,
      %add3A_297 = arith.constant 2048 : i32
      %add3A_298 = arith.addi %add3A_297, %add3A_285 : i32
      %swap3A_299 = arith.index_cast %add3A_298 : i32 to index
      %swap3A_300 = tpu.vector_load %arg8[%swap3A_299] {strides = array<i32>} : memref<6144xf32, #tpu.memory_space<vmem>>, vector<16xf32>,
      tpu.vector_store %arg8[%swap3A_299], %gather3A_296 {strides = array<i32>} : memref<6144xf32, #tpu.memory_space<vmem>>, vector<16xf32>,
      %gather3A_301 = tpu.vector_load_idx %arg11[%get3A_290] : memref<16384xf32, #tpu.memory_space<vmem>>[vector<16xi32>], vector<16xf32>,
      %add3A_302 = arith.constant 4096 : i32
      %add3A_303 = arith.addi %add3A_302, %add3A_285 : i32
      %swap3A_304 = arith.index_cast %add3A_303 : i32 to index
      %swap3A_305 = tpu.vector_load %arg8[%swap3A_304] {strides = array<i32>} : memref<6144xf32, #tpu.memory_space<vmem>>, vector<16xf32>,
      tpu.vector_store %arg8[%swap3A_304], %gather3A_301 {strides = array<i32>} : memref<6144xf32, #tpu.memory_space<vmem>>, vector<16xf32>,
      %mul3A_306 = arith.constant 4 : i32
      %mul3A_307 = arith.muli %scan3A_230, %mul3A_306 : i32
      %mul3A_308 = arith.constant 16 : i32
      %mul3A_309 = arith.muli %mul3A_307, %mul3A_308 : i32
      %add3A_310 = arith.constant 48 : i32
      %add3A_311 = arith.addi %mul3A_309, %add3A_310 : i32
      %mul3A_312 = arith.constant 2048 : i32
      %mul3A_313 = arith.muli %select_n3A_30, %mul3A_312 : i32
      %add3A_314 = arith.addi %mul3A_313, %add3A_311 : i32
      %get3A_315 = arith.index_cast %add3A_314 : i32 to index
      %get3A_316 = tpu.vector_load %arg7[%get3A_315] {strides = array<i32>} : memref<4096xi32, #tpu.memory_space<vmem>>, vector<16xi32>,
      %gather3A_317 = tpu.vector_load_idx %arg9[%get3A_316] : memref<16384xf32, #tpu.memory_space<vmem>>[vector<16xi32>], vector<16xf32>,
      %add3A_318 = arith.constant 0 : i32
      %add3A_319 = arith.addi %add3A_318, %add3A_311 : i32
      %swap3A_320 = arith.index_cast %add3A_319 : i32 to index
      %swap3A_321 = tpu.vector_load %arg8[%swap3A_320] {strides = array<i32>} : memref<6144xf32, #tpu.memory_space<vmem>>, vector<16xf32>,
      tpu.vector_store %arg8[%swap3A_320], %gather3A_317 {strides = array<i32>} : memref<6144xf32, #tpu.memory_space<vmem>>, vector<16xf32>,
      %gather3A_322 = tpu.vector_load_idx %arg10[%get3A_316] : memref<16384xf32, #tpu.memory_space<vmem>>[vector<16xi32>], vector<16xf32>,
      %add3A_323 = arith.constant 2048 : i32
      %add3A_324 = arith.addi %add3A_323, %add3A_311 : i32
      %swap3A_325 = arith.index_cast %add3A_324 : i32 to index
      %swap3A_326 = tpu.vector_load %arg8[%swap3A_325] {strides = array<i32>} : memref<6144xf32, #tpu.memory_space<vmem>>, vector<16xf32>,
      tpu.vector_store %arg8[%swap3A_325], %gather3A_322 {strides = array<i32>} : memref<6144xf32, #tpu.memory_space<vmem>>, vector<16xf32>,
      %gather3A_327 = tpu.vector_load_idx %arg11[%get3A_316] : memref<16384xf32, #tpu.memory_space<vmem>>[vector<16xi32>], vector<16xf32>,
      %add3A_328 = arith.constant 4096 : i32
      %add3A_329 = arith.addi %add3A_328, %add3A_311 : i32
      %swap3A_330 = arith.index_cast %add3A_329 : i32 to index
      %swap3A_331 = tpu.vector_load %arg8[%swap3A_330] {strides = array<i32>} : memref<6144xf32, #tpu.memory_space<vmem>>, vector<16xf32>,
      tpu.vector_store %arg8[%swap3A_330], %gather3A_327 {strides = array<i32>} : memref<6144xf32, #tpu.memory_space<vmem>>, vector<16xf32>,
    }
    %scan3A_94 = arith.constant 32 : i32
    %mul3A_95 = arith.constant 3 : i32
    %mul3A_96 = arith.muli %select_n3A, %mul3A_95 : i32
    %add3A_97 = arith.constant 0 : i32
    %add3A_98 = arith.addi %mul3A_96, %add3A_97 : i32
    %mul3A_99 = arith.constant 2048 : i32
    %mul3A_100 = arith.muli %select_n3A_30, %mul3A_99 : i32
    %dma_start3A_101 = arith.constant 0 : i32
    %dma_start3A_102 = tpu.memref_slice %arg8[%dma_start3A_101] : memref<6144xf32, #tpu.memory_space<vmem>> -> memref<2048xf32, #tpu.memory_space<vmem>>
    %dma_start3A_103 = tpu.memref_slice %arg5[%add3A_98, %mul3A_100] : memref<48x4096xf32, #tpu.memory_space<hbm>> -> memref<1x2048xf32, #tpu.memory_space<hbm>>
    %dma_start3A_104 = tpu.memref_squeeze %dma_start3A_103 : memref<1x2048xf32, #tpu.memory_space<hbm>> -> memref<2048xf32, #tpu.memory_space<hbm>>
    %dma_start3A_105 = tpu.memref_slice %arg5[%add3A_98, %mul3A_100] : memref<48x4096xf32, #tpu.memory_space<hbm>> -> memref<1x2048xf32, #tpu.memory_space<hbm>>
    %dma_start3A_106 = tpu.memref_squeeze %dma_start3A_105 : memref<1x2048xf32, #tpu.memory_space<hbm>> -> memref<2048xf32, #tpu.memory_space<hbm>>
    %dma_start3A_107 = arith.constant 0 : i32
    %dma_start3A_108 = tpu.memref_slice %arg8[%dma_start3A_107] : memref<6144xf32, #tpu.memory_space<vmem>> -> memref<2048xf32, #tpu.memory_space<vmem>>
    tpu.enqueue_dma source(%dma_start3A_108 : memref<2048xf32, #tpu.memory_space<vmem>>) target(%dma_start3A_106 : memref<2048xf32, #tpu.memory_space<hbm>>) target_semaphore(%arg15 : memref<!tpu.dma_semaphore, #tpu.memory_space<semaphore_mem>>)
    %mul3A_109 = arith.constant 3 : i32
    %mul3A_110 = arith.muli %select_n3A, %mul3A_109 : i32
    %add3A_111 = arith.constant 1 : i32
    %add3A_112 = arith.addi %mul3A_110, %add3A_111 : i32
    %mul3A_113 = arith.constant 2048 : i32
    %mul3A_114 = arith.muli %select_n3A_30, %mul3A_113 : i32
    %dma_start3A_115 = arith.constant 2048 : i32
    %dma_start3A_116 = tpu.memref_slice %arg8[%dma_start3A_115] : memref<6144xf32, #tpu.memory_space<vmem>> -> memref<2048xf32, #tpu.memory_space<vmem>>
    %dma_start3A_117 = tpu.memref_slice %arg5[%add3A_112, %mul3A_114] : memref<48x4096xf32, #tpu.memory_space<hbm>> -> memref<1x2048xf32, #tpu.memory_space<hbm>>
    %dma_start3A_118 = tpu.memref_squeeze %dma_start3A_117 : memref<1x2048xf32, #tpu.memory_space<hbm>> -> memref<2048xf32, #tpu.memory_space<hbm>>
    %dma_start3A_119 = tpu.memref_slice %arg5[%add3A_112, %mul3A_114] : memref<48x4096xf32, #tpu.memory_space<hbm>> -> memref<1x2048xf32, #tpu.memory_space<hbm>>
    %dma_start3A_120 = tpu.memref_squeeze %dma_start3A_119 : memref<1x2048xf32, #tpu.memory_space<hbm>> -> memref<2048xf32, #tpu.memory_space<hbm>>
    %dma_start3A_121 = arith.constant 2048 : i32
    %dma_start3A_122 = tpu.memref_slice %arg8[%dma_start3A_121] : memref<6144xf32, #tpu.memory_space<vmem>> -> memref<2048xf32, #tpu.memory_space<vmem>>
    tpu.enqueue_dma source(%dma_start3A_122 : memref<2048xf32, #tpu.memory_space<vmem>>) target(%dma_start3A_120 : memref<2048xf32, #tpu.memory_space<hbm>>) target_semaphore(%arg15 : memref<!tpu.dma_semaphore, #tpu.memory_space<semaphore_mem>>)
    %mul3A_123 = arith.constant 3 : i32
    %mul3A_124 = arith.muli %select_n3A, %mul3A_123 : i32
    %add3A_125 = arith.constant 2 : i32
    %add3A_126 = arith.addi %mul3A_124, %add3A_125 : i32
    %mul3A_127 = arith.constant 2048 : i32
    %mul3A_128 = arith.muli %select_n3A_30, %mul3A_127 : i32
    %dma_start3A_129 = arith.constant 4096 : i32
    %dma_start3A_130 = tpu.memref_slice %arg8[%dma_start3A_129] : memref<6144xf32, #tpu.memory_space<vmem>> -> memref<2048xf32, #tpu.memory_space<vmem>>
    %dma_start3A_131 = tpu.memref_slice %arg5[%add3A_126, %mul3A_128] : memref<48x4096xf32, #tpu.memory_space<hbm>> -> memref<1x2048xf32, #tpu.memory_space<hbm>>
    %dma_start3A_132 = tpu.memref_squeeze %dma_start3A_131 : memref<1x2048xf32, #tpu.memory_space<hbm>> -> memref<2048xf32, #tpu.memory_space<hbm>>
    %dma_start3A_133 = tpu.memref_slice %arg5[%add3A_126, %mul3A_128] : memref<48x4096xf32, #tpu.memory_space<hbm>> -> memref<1x2048xf32, #tpu.memory_space<hbm>>
    %dma_start3A_134 = tpu.memref_squeeze %dma_start3A_133 : memref<1x2048xf32, #tpu.memory_space<hbm>> -> memref<2048xf32, #tpu.memory_space<hbm>>
    %dma_start3A_135 = arith.constant 4096 : i32
    %dma_start3A_136 = tpu.memref_slice %arg8[%dma_start3A_135] : memref<6144xf32, #tpu.memory_space<vmem>> -> memref<2048xf32, #tpu.memory_space<vmem>>
    tpu.enqueue_dma source(%dma_start3A_136 : memref<2048xf32, #tpu.memory_space<vmem>>) target(%dma_start3A_134 : memref<2048xf32, #tpu.memory_space<hbm>>) target_semaphore(%arg15 : memref<!tpu.dma_semaphore, #tpu.memory_space<semaphore_mem>>)
    %add3A_137 = arith.constant 0 : i32
    %add3A_138 = arith.addi %mul3A_32, %add3A_137 : i32
    %dma_start3A_139 = arith.constant 0 : i32
    %dma_start3A_140 = arith.constant 0 : i32
    %dma_start3A_141 = tpu.memref_slice %arg3[%select_n3A, %add3A_138, %dma_start3A_140] : memref<16x256x16384xf32, #tpu.memory_space<hbm>> -> memref<1x1x16384xf32, #tpu.memory_space<hbm>>
    %dma_start3A_142 = tpu.memref_squeeze %dma_start3A_141 : memref<1x1x16384xf32, #tpu.memory_space<hbm>> -> memref<16384xf32, #tpu.memory_space<hbm>>
    %dma_start3A_143 = tpu.memref_slice %arg16[%dma_start3A_139] : memref<4x!tpu.dma_semaphore, #tpu.memory_space<semaphore_mem>> -> memref<1x!tpu.dma_semaphore, #tpu.memory_space<semaphore_mem>>
    %dma_start3A_144 = tpu.memref_squeeze %dma_start3A_143 : memref<1x!tpu.dma_semaphore, #tpu.memory_space<semaphore_mem>> -> memref<!tpu.dma_semaphore, #tpu.memory_space<semaphore_mem>>
    %dma_start3A_145 = arith.constant 0 : i32
    %dma_start3A_146 = tpu.memref_slice %arg3[%select_n3A, %add3A_138, %dma_start3A_145] : memref<16x256x16384xf32, #tpu.memory_space<hbm>> -> memref<1x1x16384xf32, #tpu.memory_space<hbm>>
    %dma_start3A_147 = tpu.memref_squeeze %dma_start3A_146 : memref<1x1x16384xf32, #tpu.memory_space<hbm>> -> memref<16384xf32, #tpu.memory_space<hbm>>
    tpu.enqueue_dma source(%dma_start3A_147 : memref<16384xf32, #tpu.memory_space<hbm>>) target(%arg9 : memref<16384xf32, #tpu.memory_space<vmem>>) target_semaphore(%dma_start3A_144 : memref<!tpu.dma_semaphore, #tpu.memory_space<semaphore_mem>>)
    %add3A_148 = arith.constant 1 : i32
    %add3A_149 = arith.addi %mul3A_32, %add3A_148 : i32
    %dma_start3A_150 = arith.constant 1 : i32
    %dma_start3A_151 = arith.constant 0 : i32
    %dma_start3A_152 = tpu.memref_slice %arg3[%select_n3A, %add3A_149, %dma_start3A_151] : memref<16x256x16384xf32, #tpu.memory_space<hbm>> -> memref<1x1x16384xf32, #tpu.memory_space<hbm>>
    %dma_start3A_153 = tpu.memref_squeeze %dma_start3A_152 : memref<1x1x16384xf32, #tpu.memory_space<hbm>> -> memref<16384xf32, #tpu.memory_space<hbm>>
    %dma_start3A_154 = tpu.memref_slice %arg16[%dma_start3A_150] : memref<4x!tpu.dma_semaphore, #tpu.memory_space<semaphore_mem>> -> memref<1x!tpu.dma_semaphore, #tpu.memory_space<semaphore_mem>>
    %dma_start3A_155 = tpu.memref_squeeze %dma_start3A_154 : memref<1x!tpu.dma_semaphore, #tpu.memory_space<semaphore_mem>> -> memref<!tpu.dma_semaphore, #tpu.memory_space<semaphore_mem>>
    %dma_start3A_156 = arith.constant 0 : i32
    %dma_start3A_157 = tpu.memref_slice %arg3[%select_n3A, %add3A_149, %dma_start3A_156] : memref<16x256x16384xf32, #tpu.memory_space<hbm>> -> memref<1x1x16384xf32, #tpu.memory_space<hbm>>
    %dma_start3A_158 = tpu.memref_squeeze %dma_start3A_157 : memref<1x1x16384xf32, #tpu.memory_space<hbm>> -> memref<16384xf32, #tpu.memory_space<hbm>>
    tpu.enqueue_dma source(%dma_start3A_158 : memref<16384xf32, #tpu.memory_space<hbm>>) target(%arg10 : memref<16384xf32, #tpu.memory_space<vmem>>) target_semaphore(%dma_start3A_155 : memref<!tpu.dma_semaphore, #tpu.memory_space<semaphore_mem>>)
    %add3A_159 = arith.constant 2 : i32
    %add3A_160 = arith.addi %mul3A_32, %add3A_159 : i32
    %dma_start3A_161 = arith.constant 2 : i32
    %dma_start3A_162 = arith.constant 0 : i32
    %dma_start3A_163 = tpu.memref_slice %arg3[%select_n3A, %add3A_160, %dma_start3A_162] : memref<16x256x16384xf32, #tpu.memory_space<hbm>> -> memref<1x1x16384xf32, #tpu.memory_space<hbm>>
    %dma_start3A_164 = tpu.memref_squeeze %dma_start3A_163 : memref<1x1x16384xf32, #tpu.memory_space<hbm>> -> memref<16384xf32, #tpu.memory_space<hbm>>
    %dma_start3A_165 = tpu.memref_slice %arg16[%dma_start3A_161] : memref<4x!tpu.dma_semaphore, #tpu.memory_space<semaphore_mem>> -> memref<1x!tpu.dma_semaphore, #tpu.memory_space<semaphore_mem>>
    %dma_start3A_166 = tpu.memref_squeeze %dma_start3A_165 : memref<1x!tpu.dma_semaphore, #tpu.memory_space<semaphore_mem>> -> memref<!tpu.dma_semaphore, #tpu.memory_space<semaphore_mem>>
    %dma_start3A_167 = arith.constant 0 : i32
    %dma_start3A_168 = tpu.memref_slice %arg3[%select_n3A, %add3A_160, %dma_start3A_167] : memref<16x256x16384xf32, #tpu.memory_space<hbm>> -> memref<1x1x16384xf32, #tpu.memory_space<hbm>>
    %dma_start3A_169 = tpu.memref_squeeze %dma_start3A_168 : memref<1x1x16384xf32, #tpu.memory_space<hbm>> -> memref<16384xf32, #tpu.memory_space<hbm>>
    tpu.enqueue_dma source(%dma_start3A_169 : memref<16384xf32, #tpu.memory_space<hbm>>) target(%arg11 : memref<16384xf32, #tpu.memory_space<vmem>>) target_semaphore(%dma_start3A_166 : memref<!tpu.dma_semaphore, #tpu.memory_space<semaphore_mem>>)
    %scan3A_170 = arith.constant 0 : i32
    %scan3A_171 = arith.constant 0 : i32
    %scan3A_172 = arith.constant 32 : i32
    %scan3A_173 = arith.addi %scan3A_171, %scan3A_172 : i32
    %scan3A_174 = arith.constant 1 : i32
    scf.for %scan3A_230 = %scan3A_171 to %scan3A_173 step %scan3A_174  : i32 {
      %mul3A_231 = arith.constant 4 : i32
      %mul3A_232 = arith.muli %scan3A_230, %mul3A_231 : i32
      %add3A_233 = arith.constant 0 : i32
      %add3A_234 = arith.addi %mul3A_232, %add3A_233 : i32
      %add3A_235 = arith.addi %mul3A_32, %add3A_234 : i32
      %dma_wait3A_236 = arith.constant 0 : i32
      %dma_wait3A_237 = arith.constant 0 : i32
      %dma_wait3A_238 = tpu.memref_slice %arg3[%select_n3A, %add3A_235, %dma_wait3A_237] : memref<16x256x16384xf32, #tpu.memory_space<hbm>> -> memref<1x1x16384xf32, #tpu.memory_space<hbm>>
      %dma_wait3A_239 = tpu.memref_squeeze %dma_wait3A_238 : memref<1x1x16384xf32, #tpu.memory_space<hbm>> -> memref<16384xf32, #tpu.memory_space<hbm>>
      %dma_wait3A_240 = tpu.memref_slice %arg16[%dma_wait3A_236] : memref<4x!tpu.dma_semaphore, #tpu.memory_space<semaphore_mem>> -> memref<1x!tpu.dma_semaphore, #tpu.memory_space<semaphore_mem>>
      %dma_wait3A_241 = tpu.memref_squeeze %dma_wait3A_240 : memref<1x!tpu.dma_semaphore, #tpu.memory_space<semaphore_mem>> -> memref<!tpu.dma_semaphore, #tpu.memory_space<semaphore_mem>>
      %dma_wait3A_242 = arith.constant 0 : i32
      %dma_wait3A_243 = tpu.memref_slice %arg3[%select_n3A, %add3A_235, %dma_wait3A_242] : memref<16x256x16384xf32, #tpu.memory_space<hbm>> -> memref<1x1x16384xf32, #tpu.memory_space<hbm>>
      %dma_wait3A_244 = tpu.memref_squeeze %dma_wait3A_243 : memref<1x1x16384xf32, #tpu.memory_space<hbm>> -> memref<16384xf32, #tpu.memory_space<hbm>>
      tpu.wait_dma2 semaphore(%dma_wait3A_241 : memref<!tpu.dma_semaphore, #tpu.memory_space<semaphore_mem>>) src(%dma_wait3A_244 : memref<16384xf32, #tpu.memory_space<hbm>>) dst(%arg9 : memref<16384xf32, #tpu.memory_space<vmem>>)
      %gt3A = arith.constant 0 : i32
      %gt3A_245 = arith.cmpi sgt, %scan3A_230, %gt3A : i32
      %convert_element_type3A = arith.extui %gt3A_245 : i1 to i32
      %cond3A = arith.constant 0 : i32
      %cond3A_246 = arith.cmpi ne, %convert_element_type3A, %cond3A : i32
      scf.if %cond3A_246 {
        %dma_wait3A_400 = arith.constant 0 : i32
        %dma_wait3A_401 = arith.constant 0 : i32
        %dma_wait3A_402 = tpu.memref_slice %arg6[%select_n3A, %add3A_235, %dma_wait3A_401] : memref<16x256x4096xf32, #tpu.memory_space<hbm>> -> memref<1x1x4096xf32, #tpu.memory_space<hbm>>
        %dma_wait3A_403 = tpu.memref_squeeze %dma_wait3A_402 : memref<1x1x4096xf32, #tpu.memory_space<hbm>> -> memref<4096xf32, #tpu.memory_space<hbm>>
        %dma_wait3A_404 = tpu.memref_slice %arg17[%dma_wait3A_400] : memref<2x!tpu.dma_semaphore, #tpu.memory_space<semaphore_mem>> -> memref<1x!tpu.dma_semaphore, #tpu.memory_space<semaphore_mem>>
        %dma_wait3A_405 = tpu.memref_squeeze %dma_wait3A_404 : memref<1x!tpu.dma_semaphore, #tpu.memory_space<semaphore_mem>> -> memref<!tpu.dma_semaphore, #tpu.memory_space<semaphore_mem>>
        %dma_wait3A_406 = arith.constant 0 : i32
        %dma_wait3A_407 = tpu.memref_slice %arg6[%select_n3A, %add3A_235, %dma_wait3A_406] : memref<16x256x4096xf32, #tpu.memory_space<hbm>> -> memref<1x1x4096xf32, #tpu.memory_space<hbm>>
        %dma_wait3A_408 = tpu.memref_squeeze %dma_wait3A_407 : memref<1x1x4096xf32, #tpu.memory_space<hbm>> -> memref<4096xf32, #tpu.memory_space<hbm>>
        tpu.wait_dma2 semaphore(%dma_wait3A_405 : memref<!tpu.dma_semaphore, #tpu.memory_space<semaphore_mem>>) src(%arg13 : memref<4096xf32, #tpu.memory_space<vmem>>) dst(%dma_wait3A_408 : memref<4096xf32, #tpu.memory_space<hbm>>)
      } else {
      }
      %scan3A_247 = arith.constant 0 : i32
      %scan3A_248 = arith.constant 0 : i32
      %scan3A_249 = arith.constant 16 : i32
      %scan3A_250 = arith.addi %scan3A_248, %scan3A_249 : i32
      %scan3A_251 = arith.constant 1 : i32
      scf.for %scan3A_400 = %scan3A_248 to %scan3A_250 step %scan3A_251  : i32 {
        %mul3A_401 = arith.constant 256 : i32
        %mul3A_402 = arith.muli %scan3A_400, %mul3A_401 : i32
        %add3A_403 = arith.constant 0 : i32
        %add3A_404 = arith.addi %mul3A_402, %add3A_403 : i32
        %get3A = arith.index_cast %add3A_404 : i32 to index
        %get3A_405 = tpu.vector_load %arg7[%get3A] {strides = array<i32>} : memref<4096xi32, #tpu.memory_space<vmem>>, vector<16xi32>,
        %gather3A = tpu.vector_load_idx %arg9[%get3A_405] : memref<16384xf32, #tpu.memory_space<vmem>>[vector<16xi32>], vector<16xf32>,
        %swap3A = arith.index_cast %add3A_404 : i32 to index
        %swap3A_406 = tpu.vector_load %arg13[%swap3A] {strides = array<i32>} : memref<4096xf32, #tpu.memory_space<vmem>>, vector<16xf32>,
        tpu.vector_store %arg13[%swap3A], %gather3A {strides = array<i32>} : memref<4096xf32, #tpu.memory_space<vmem>>, vector<16xf32>,
        %mul3A_407 = arith.constant 256 : i32
        %mul3A_408 = arith.muli %scan3A_400, %mul3A_407 : i32
        %add3A_409 = arith.constant 16 : i32
        %add3A_410 = arith.addi %mul3A_408, %add3A_409 : i32
        %get3A_411 = arith.index_cast %add3A_410 : i32 to index
        %get3A_412 = tpu.vector_load %arg7[%get3A_411] {strides = array<i32>} : memref<4096xi32, #tpu.memory_space<vmem>>, vector<16xi32>,
        %gather3A_413 = tpu.vector_load_idx %arg9[%get3A_412] : memref<16384xf32, #tpu.memory_space<vmem>>[vector<16xi32>], vector<16xf32>,
        %swap3A_414 = arith.index_cast %add3A_410 : i32 to index
        %swap3A_415 = tpu.vector_load %arg13[%swap3A_414] {strides = array<i32>} : memref<4096xf32, #tpu.memory_space<vmem>>, vector<16xf32>,
        tpu.vector_store %arg13[%swap3A_414], %gather3A_413 {strides = array<i32>} : memref<4096xf32, #tpu.memory_space<vmem>>, vector<16xf32>,
        %mul3A_416 = arith.constant 256 : i32
        %mul3A_417 = arith.muli %scan3A_400, %mul3A_416 : i32
        %add3A_418 = arith.constant 32 : i32
        %add3A_419 = arith.addi %mul3A_417, %add3A_418 : i32
        %get3A_420 = arith.index_cast %add3A_419 : i32 to index
        %get3A_421 = tpu.vector_load %arg7[%get3A_420] {strides = array<i32>} : memref<4096xi32, #tpu.memory_space<vmem>>, vector<16xi32>,
        %gather3A_422 = tpu.vector_load_idx %arg9[%get3A_421] : memref<16384xf32, #tpu.memory_space<vmem>>[vector<16xi32>], vector<16xf32>,
        %swap3A_423 = arith.index_cast %add3A_419 : i32 to index
        %swap3A_424 = tpu.vector_load %arg13[%swap3A_423] {strides = array<i32>} : memref<4096xf32, #tpu.memory_space<vmem>>, vector<16xf32>,
        tpu.vector_store %arg13[%swap3A_423], %gather3A_422 {strides = array<i32>} : memref<4096xf32, #tpu.memory_space<vmem>>, vector<16xf32>,
        %mul3A_425 = arith.constant 256 : i32
        %mul3A_426 = arith.muli %scan3A_400, %mul3A_425 : i32
        %add3A_427 = arith.constant 48 : i32
        %add3A_428 = arith.addi %mul3A_426, %add3A_427 : i32
        %get3A_429 = arith.index_cast %add3A_428 : i32 to index
        %get3A_430 = tpu.vector_load %arg7[%get3A_429] {strides = array<i32>} : memref<4096xi32, #tpu.memory_space<vmem>>, vector<16xi32>,
        %gather3A_431 = tpu.vector_load_idx %arg9[%get3A_430] : memref<16384xf32, #tpu.memory_space<vmem>>[vector<16xi32>], vector<16xf32>,
        %swap3A_432 = arith.index_cast %add3A_428 : i32 to index
        %swap3A_433 = tpu.vector_load %arg13[%swap3A_432] {strides = array<i32>} : memref<4096xf32, #tpu.memory_space<vmem>>, vector<16xf32>,
        tpu.vector_store %arg13[%swap3A_432], %gather3A_431 {strides = array<i32>} : memref<4096xf32, #tpu.memory_space<vmem>>, vector<16xf32>,
        %mul3A_434 = arith.constant 256 : i32
        %mul3A_435 = arith.muli %scan3A_400, %mul3A_434 : i32
        %add3A_436 = arith.constant 64 : i32
        %add3A_437 = arith.addi %mul3A_435, %add3A_436 : i32
        %get3A_438 = arith.index_cast %add3A_437 : i32 to index
        %get3A_439 = tpu.vector_load %arg7[%get3A_438] {strides = array<i32>} : memref<4096xi32, #tpu.memory_space<vmem>>, vector<16xi32>,
        %gather3A_440 = tpu.vector_load_idx %arg9[%get3A_439] : memref<16384xf32, #tpu.memory_space<vmem>>[vector<16xi32>], vector<16xf32>,
        %swap3A_441 = arith.index_cast %add3A_437 : i32 to index
        %swap3A_442 = tpu.vector_load %arg13[%swap3A_441] {strides = array<i32>} : memref<4096xf32, #tpu.memory_space<vmem>>, vector<16xf32>,
        tpu.vector_store %arg13[%swap3A_441], %gather3A_440 {strides = array<i32>} : memref<4096xf32, #tpu.memory_space<vmem>>, vector<16xf32>,
        %mul3A_443 = arith.constant 256 : i32
        %mul3A_444 = arith.muli %scan3A_400, %mul3A_443 : i32
        %add3A_445 = arith.constant 80 : i32
        %add3A_446 = arith.addi %mul3A_444, %add3A_445 : i32
        %get3A_447 = arith.index_cast %add3A_446 : i32 to index
        %get3A_448 = tpu.vector_load %arg7[%get3A_447] {strides = array<i32>} : memref<4096xi32, #tpu.memory_space<vmem>>, vector<16xi32>,
        %gather3A_449 = tpu.vector_load_idx %arg9[%get3A_448] : memref<16384xf32, #tpu.memory_space<vmem>>[vector<16xi32>], vector<16xf32>,
        %swap3A_450 = arith.index_cast %add3A_446 : i32 to index
        %swap3A_451 = tpu.vector_load %arg13[%swap3A_450] {strides = array<i32>} : memref<4096xf32, #tpu.memory_space<vmem>>, vector<16xf32>,
        tpu.vector_store %arg13[%swap3A_450], %gather3A_449 {strides = array<i32>} : memref<4096xf32, #tpu.memory_space<vmem>>, vector<16xf32>,
        %mul3A_452 = arith.constant 256 : i32
        %mul3A_453 = arith.muli %scan3A_400, %mul3A_452 : i32
        %add3A_454 = arith.constant 96 : i32
        %add3A_455 = arith.addi %mul3A_453, %add3A_454 : i32
        %get3A_456 = arith.index_cast %add3A_455 : i32 to index
        %get3A_457 = tpu.vector_load %arg7[%get3A_456] {strides = array<i32>} : memref<4096xi32, #tpu.memory_space<vmem>>, vector<16xi32>,
        %gather3A_458 = tpu.vector_load_idx %arg9[%get3A_457] : memref<16384xf32, #tpu.memory_space<vmem>>[vector<16xi32>], vector<16xf32>,
        %swap3A_459 = arith.index_cast %add3A_455 : i32 to index
        %swap3A_460 = tpu.vector_load %arg13[%swap3A_459] {strides = array<i32>} : memref<4096xf32, #tpu.memory_space<vmem>>, vector<16xf32>,
        tpu.vector_store %arg13[%swap3A_459], %gather3A_458 {strides = array<i32>} : memref<4096xf32, #tpu.memory_space<vmem>>, vector<16xf32>,
        %mul3A_461 = arith.constant 256 : i32
        %mul3A_462 = arith.muli %scan3A_400, %mul3A_461 : i32
        %add3A_463 = arith.constant 112 : i32
        %add3A_464 = arith.addi %mul3A_462, %add3A_463 : i32
        %get3A_465 = arith.index_cast %add3A_464 : i32 to index
        %get3A_466 = tpu.vector_load %arg7[%get3A_465] {strides = array<i32>} : memref<4096xi32, #tpu.memory_space<vmem>>, vector<16xi32>,
        %gather3A_467 = tpu.vector_load_idx %arg9[%get3A_466] : memref<16384xf32, #tpu.memory_space<vmem>>[vector<16xi32>], vector<16xf32>,
        %swap3A_468 = arith.index_cast %add3A_464 : i32 to index
        %swap3A_469 = tpu.vector_load %arg13[%swap3A_468] {strides = array<i32>} : memref<4096xf32, #tpu.memory_space<vmem>>, vector<16xf32>,
        tpu.vector_store %arg13[%swap3A_468], %gather3A_467 {strides = array<i32>} : memref<4096xf32, #tpu.memory_space<vmem>>, vector<16xf32>,
        %mul3A_470 = arith.constant 256 : i32
        %mul3A_471 = arith.muli %scan3A_400, %mul3A_470 : i32
        %add3A_472 = arith.constant 128 : i32
        %add3A_473 = arith.addi %mul3A_471, %add3A_472 : i32
        %get3A_474 = arith.index_cast %add3A_473 : i32 to index
        %get3A_475 = tpu.vector_load %arg7[%get3A_474] {strides = array<i32>} : memref<4096xi32, #tpu.memory_space<vmem>>, vector<16xi32>,
        %gather3A_476 = tpu.vector_load_idx %arg9[%get3A_475] : memref<16384xf32, #tpu.memory_space<vmem>>[vector<16xi32>], vector<16xf32>,
        %swap3A_477 = arith.index_cast %add3A_473 : i32 to index
        %swap3A_478 = tpu.vector_load %arg13[%swap3A_477] {strides = array<i32>} : memref<4096xf32, #tpu.memory_space<vmem>>, vector<16xf32>,
        tpu.vector_store %arg13[%swap3A_477], %gather3A_476 {strides = array<i32>} : memref<4096xf32, #tpu.memory_space<vmem>>, vector<16xf32>,
        %mul3A_479 = arith.constant 256 : i32
        %mul3A_480 = arith.muli %scan3A_400, %mul3A_479 : i32
        %add3A_481 = arith.constant 144 : i32
        %add3A_482 = arith.addi %mul3A_480, %add3A_481 : i32
        %get3A_483 = arith.index_cast %add3A_482 : i32 to index
        %get3A_484 = tpu.vector_load %arg7[%get3A_483] {strides = array<i32>} : memref<4096xi32, #tpu.memory_space<vmem>>, vector<16xi32>,
        %gather3A_485 = tpu.vector_load_idx %arg9[%get3A_484] : memref<16384xf32, #tpu.memory_space<vmem>>[vector<16xi32>], vector<16xf32>,
        %swap3A_486 = arith.index_cast %add3A_482 : i32 to index
        %swap3A_487 = tpu.vector_load %arg13[%swap3A_486] {strides = array<i32>} : memref<4096xf32, #tpu.memory_space<vmem>>, vector<16xf32>,
        tpu.vector_store %arg13[%swap3A_486], %gather3A_485 {strides = array<i32>} : memref<4096xf32, #tpu.memory_space<vmem>>, vector<16xf32>,
        %mul3A_488 = arith.constant 256 : i32
        %mul3A_489 = arith.muli %scan3A_400, %mul3A_488 : i32
        %add3A_490 = arith.constant 160 : i32
        %add3A_491 = arith.addi %mul3A_489, %add3A_490 : i32
        %get3A_492 = arith.index_cast %add3A_491 : i32 to index
        %get3A_493 = tpu.vector_load %arg7[%get3A_492] {strides = array<i32>} : memref<4096xi32, #tpu.memory_space<vmem>>, vector<16xi32>,
        %gather3A_494 = tpu.vector_load_idx %arg9[%get3A_493] : memref<16384xf32, #tpu.memory_space<vmem>>[vector<16xi32>], vector<16xf32>,
        %swap3A_495 = arith.index_cast %add3A_491 : i32 to index
        %swap3A_496 = tpu.vector_load %arg13[%swap3A_495] {strides = array<i32>} : memref<4096xf32, #tpu.memory_space<vmem>>, vector<16xf32>,
        tpu.vector_store %arg13[%swap3A_495], %gather3A_494 {strides = array<i32>} : memref<4096xf32, #tpu.memory_space<vmem>>, vector<16xf32>,
        %mul3A_497 = arith.constant 256 : i32
        %mul3A_498 = arith.muli %scan3A_400, %mul3A_497 : i32
        %add3A_499 = arith.constant 176 : i32
        %add3A_500 = arith.addi %mul3A_498, %add3A_499 : i32
        %get3A_501 = arith.index_cast %add3A_500 : i32 to index
        %get3A_502 = tpu.vector_load %arg7[%get3A_501] {strides = array<i32>} : memref<4096xi32, #tpu.memory_space<vmem>>, vector<16xi32>,
        %gather3A_503 = tpu.vector_load_idx %arg9[%get3A_502] : memref<16384xf32, #tpu.memory_space<vmem>>[vector<16xi32>], vector<16xf32>,
        %swap3A_504 = arith.index_cast %add3A_500 : i32 to index
        %swap3A_505 = tpu.vector_load %arg13[%swap3A_504] {strides = array<i32>} : memref<4096xf32, #tpu.memory_space<vmem>>, vector<16xf32>,
        tpu.vector_store %arg13[%swap3A_504], %gather3A_503 {strides = array<i32>} : memref<4096xf32, #tpu.memory_space<vmem>>, vector<16xf32>,
        %mul3A_506 = arith.constant 256 : i32
        %mul3A_507 = arith.muli %scan3A_400, %mul3A_506 : i32
        %add3A_508 = arith.constant 192 : i32
        %add3A_509 = arith.addi %mul3A_507, %add3A_508 : i32
        %get3A_510 = arith.index_cast %add3A_509 : i32 to index
        %get3A_511 = tpu.vector_load %arg7[%get3A_510] {strides = array<i32>} : memref<4096xi32, #tpu.memory_space<vmem>>, vector<16xi32>,
        %gather3A_512 = tpu.vector_load_idx %arg9[%get3A_511] : memref<16384xf32, #tpu.memory_space<vmem>>[vector<16xi32>], vector<16xf32>,
        %swap3A_513 = arith.index_cast %add3A_509 : i32 to index
        %swap3A_514 = tpu.vector_load %arg13[%swap3A_513] {strides = array<i32>} : memref<4096xf32, #tpu.memory_space<vmem>>, vector<16xf32>,
        tpu.vector_store %arg13[%swap3A_513], %gather3A_512 {strides = array<i32>} : memref<4096xf32, #tpu.memory_space<vmem>>, vector<16xf32>,
        %mul3A_515 = arith.constant 256 : i32
        %mul3A_516 = arith.muli %scan3A_400, %mul3A_515 : i32
        %add3A_517 = arith.constant 208 : i32
        %add3A_518 = arith.addi %mul3A_516, %add3A_517 : i32
        %get3A_519 = arith.index_cast %add3A_518 : i32 to index
        %get3A_520 = tpu.vector_load %arg7[%get3A_519] {strides = array<i32>} : memref<4096xi32, #tpu.memory_space<vmem>>, vector<16xi32>,
        %gather3A_521 = tpu.vector_load_idx %arg9[%get3A_520] : memref<16384xf32, #tpu.memory_space<vmem>>[vector<16xi32>], vector<16xf32>,
        %swap3A_522 = arith.index_cast %add3A_518 : i32 to index
        %swap3A_523 = tpu.vector_load %arg13[%swap3A_522] {strides = array<i32>} : memref<4096xf32, #tpu.memory_space<vmem>>, vector<16xf32>,
        tpu.vector_store %arg13[%swap3A_522], %gather3A_521 {strides = array<i32>} : memref<4096xf32, #tpu.memory_space<vmem>>, vector<16xf32>,
        %mul3A_524 = arith.constant 256 : i32
        %mul3A_525 = arith.muli %scan3A_400, %mul3A_524 : i32
        %add3A_526 = arith.constant 224 : i32
        %add3A_527 = arith.addi %mul3A_525, %add3A_526 : i32
        %get3A_528 = arith.index_cast %add3A_527 : i32 to index
        %get3A_529 = tpu.vector_load %arg7[%get3A_528] {strides = array<i32>} : memref<4096xi32, #tpu.memory_space<vmem>>, vector<16xi32>,
        %gather3A_530 = tpu.vector_load_idx %arg9[%get3A_529] : memref<16384xf32, #tpu.memory_space<vmem>>[vector<16xi32>], vector<16xf32>,
        %swap3A_531 = arith.index_cast %add3A_527 : i32 to index
        %swap3A_532 = tpu.vector_load %arg13[%swap3A_531] {strides = array<i32>} : memref<4096xf32, #tpu.memory_space<vmem>>, vector<16xf32>,
        tpu.vector_store %arg13[%swap3A_531], %gather3A_530 {strides = array<i32>} : memref<4096xf32, #tpu.memory_space<vmem>>, vector<16xf32>,
        %mul3A_533 = arith.constant 256 : i32
        %mul3A_534 = arith.muli %scan3A_400, %mul3A_533 : i32
        %add3A_535 = arith.constant 240 : i32
        %add3A_536 = arith.addi %mul3A_534, %add3A_535 : i32
        %get3A_537 = arith.index_cast %add3A_536 : i32 to index
        %get3A_538 = tpu.vector_load %arg7[%get3A_537] {strides = array<i32>} : memref<4096xi32, #tpu.memory_space<vmem>>, vector<16xi32>,
        %gather3A_539 = tpu.vector_load_idx %arg9[%get3A_538] : memref<16384xf32, #tpu.memory_space<vmem>>[vector<16xi32>], vector<16xf32>,
        %swap3A_540 = arith.index_cast %add3A_536 : i32 to index
        %swap3A_541 = tpu.vector_load %arg13[%swap3A_540] {strides = array<i32>} : memref<4096xf32, #tpu.memory_space<vmem>>, vector<16xf32>,
        tpu.vector_store %arg13[%swap3A_540], %gather3A_539 {strides = array<i32>} : memref<4096xf32, #tpu.memory_space<vmem>>, vector<16xf32>,
      }
      %scan3A_252 = arith.constant 16 : i32
      %add3A_253 = arith.constant 4 : i32
      %add3A_254 = arith.addi %add3A_234, %add3A_253 : i32
      %lt3A_255 = arith.constant 128 : i32
      %lt3A_256 = arith.cmpi slt, %add3A_254, %lt3A_255 : i32
      %convert_element_type3A_257 = arith.extui %lt3A_256 : i1 to i32
      %cond3A_258 = arith.constant 0 : i32
      %cond3A_259 = arith.cmpi ne, %convert_element_type3A_257, %cond3A_258 : i32
      scf.if %cond3A_259 {
        %add3A_400 = arith.constant 4 : i32
        %add3A_401 = arith.addi %add3A_235, %add3A_400 : i32
        %dma_start3A_402 = arith.constant 0 : i32
        %dma_start3A_403 = arith.constant 0 : i32
        %dma_start3A_404 = tpu.memref_slice %arg3[%select_n3A, %add3A_401, %dma_start3A_403] : memref<16x256x16384xf32, #tpu.memory_space<hbm>> -> memref<1x1x16384xf32, #tpu.memory_space<hbm>>
        %dma_start3A_405 = tpu.memref_squeeze %dma_start3A_404 : memref<1x1x16384xf32, #tpu.memory_space<hbm>> -> memref<16384xf32, #tpu.memory_space<hbm>>
        %dma_start3A_406 = tpu.memref_slice %arg16[%dma_start3A_402] : memref<4x!tpu.dma_semaphore, #tpu.memory_space<semaphore_mem>> -> memref<1x!tpu.dma_semaphore, #tpu.memory_space<semaphore_mem>>
        %dma_start3A_407 = tpu.memref_squeeze %dma_start3A_406 : memref<1x!tpu.dma_semaphore, #tpu.memory_space<semaphore_mem>> -> memref<!tpu.dma_semaphore, #tpu.memory_space<semaphore_mem>>
        %dma_start3A_408 = arith.constant 0 : i32
        %dma_start3A_409 = tpu.memref_slice %arg3[%select_n3A, %add3A_401, %dma_start3A_408] : memref<16x256x16384xf32, #tpu.memory_space<hbm>> -> memref<1x1x16384xf32, #tpu.memory_space<hbm>>
        %dma_start3A_410 = tpu.memref_squeeze %dma_start3A_409 : memref<1x1x16384xf32, #tpu.memory_space<hbm>> -> memref<16384xf32, #tpu.memory_space<hbm>>
        tpu.enqueue_dma source(%dma_start3A_410 : memref<16384xf32, #tpu.memory_space<hbm>>) target(%arg9 : memref<16384xf32, #tpu.memory_space<vmem>>) target_semaphore(%dma_start3A_407 : memref<!tpu.dma_semaphore, #tpu.memory_space<semaphore_mem>>)
      } else {
      }
      %dma_start3A_260 = arith.constant 0 : i32
      %dma_start3A_261 = arith.constant 0 : i32
      %dma_start3A_262 = tpu.memref_slice %arg6[%select_n3A, %add3A_235, %dma_start3A_261] : memref<16x256x4096xf32, #tpu.memory_space<hbm>> -> memref<1x1x4096xf32, #tpu.memory_space<hbm>>
      %dma_start3A_263 = tpu.memref_squeeze %dma_start3A_262 : memref<1x1x4096xf32, #tpu.memory_space<hbm>> -> memref<4096xf32, #tpu.memory_space<hbm>>
      %dma_start3A_264 = tpu.memref_slice %arg17[%dma_start3A_260] : memref<2x!tpu.dma_semaphore, #tpu.memory_space<semaphore_mem>> -> memref<1x!tpu.dma_semaphore, #tpu.memory_space<semaphore_mem>>
      %dma_start3A_265 = tpu.memref_squeeze %dma_start3A_264 : memref<1x!tpu.dma_semaphore, #tpu.memory_space<semaphore_mem>> -> memref<!tpu.dma_semaphore, #tpu.memory_space<semaphore_mem>>
      %dma_start3A_266 = arith.constant 0 : i32
      %dma_start3A_267 = tpu.memref_slice %arg6[%select_n3A, %add3A_235, %dma_start3A_266] : memref<16x256x4096xf32, #tpu.memory_space<hbm>> -> memref<1x1x4096xf32, #tpu.memory_space<hbm>>
      %dma_start3A_268 = tpu.memref_squeeze %dma_start3A_267 : memref<1x1x4096xf32, #tpu.memory_space<hbm>> -> memref<4096xf32, #tpu.memory_space<hbm>>
      tpu.enqueue_dma source(%arg13 : memref<4096xf32, #tpu.memory_space<vmem>>) target(%dma_start3A_268 : memref<4096xf32, #tpu.memory_space<hbm>>) target_semaphore(%dma_start3A_265 : memref<!tpu.dma_semaphore, #tpu.memory_space<semaphore_mem>>)
      %mul3A_269 = arith.constant 4 : i32
      %mul3A_270 = arith.muli %scan3A_230, %mul3A_269 : i32
      %add3A_271 = arith.constant 1 : i32
      %add3A_272 = arith.addi %mul3A_270, %add3A_271 : i32
      %add3A_273 = arith.addi %mul3A_32, %add3A_272 : i32
      %dma_wait3A_274 = arith.constant 1 : i32
      %dma_wait3A_275 = arith.constant 0 : i32
      %dma_wait3A_276 = tpu.memref_slice %arg3[%select_n3A, %add3A_273, %dma_wait3A_275] : memref<16x256x16384xf32, #tpu.memory_space<hbm>> -> memref<1x1x16384xf32, #tpu.memory_space<hbm>>
      %dma_wait3A_277 = tpu.memref_squeeze %dma_wait3A_276 : memref<1x1x16384xf32, #tpu.memory_space<hbm>> -> memref<16384xf32, #tpu.memory_space<hbm>>
      %dma_wait3A_278 = tpu.memref_slice %arg16[%dma_wait3A_274] : memref<4x!tpu.dma_semaphore, #tpu.memory_space<semaphore_mem>> -> memref<1x!tpu.dma_semaphore, #tpu.memory_space<semaphore_mem>>
      %dma_wait3A_279 = tpu.memref_squeeze %dma_wait3A_278 : memref<1x!tpu.dma_semaphore, #tpu.memory_space<semaphore_mem>> -> memref<!tpu.dma_semaphore, #tpu.memory_space<semaphore_mem>>
      %dma_wait3A_280 = arith.constant 0 : i32
      %dma_wait3A_281 = tpu.memref_slice %arg3[%select_n3A, %add3A_273, %dma_wait3A_280] : memref<16x256x16384xf32, #tpu.memory_space<hbm>> -> memref<1x1x16384xf32, #tpu.memory_space<hbm>>
      %dma_wait3A_282 = tpu.memref_squeeze %dma_wait3A_281 : memref<1x1x16384xf32, #tpu.memory_space<hbm>> -> memref<16384xf32, #tpu.memory_space<hbm>>
      tpu.wait_dma2 semaphore(%dma_wait3A_279 : memref<!tpu.dma_semaphore, #tpu.memory_space<semaphore_mem>>) src(%dma_wait3A_282 : memref<16384xf32, #tpu.memory_space<hbm>>) dst(%arg10 : memref<16384xf32, #tpu.memory_space<vmem>>)
      %gt3A_283 = arith.constant 0 : i32
      %gt3A_284 = arith.cmpi sgt, %scan3A_230, %gt3A_283 : i32
      %convert_element_type3A_285 = arith.extui %gt3A_284 : i1 to i32
      %cond3A_286 = arith.constant 0 : i32
      %cond3A_287 = arith.cmpi ne, %convert_element_type3A_285, %cond3A_286 : i32
      scf.if %cond3A_287 {
        %dma_wait3A_400 = arith.constant 1 : i32
        %dma_wait3A_401 = arith.constant 0 : i32
        %dma_wait3A_402 = tpu.memref_slice %arg6[%select_n3A, %add3A_273, %dma_wait3A_401] : memref<16x256x4096xf32, #tpu.memory_space<hbm>> -> memref<1x1x4096xf32, #tpu.memory_space<hbm>>
        %dma_wait3A_403 = tpu.memref_squeeze %dma_wait3A_402 : memref<1x1x4096xf32, #tpu.memory_space<hbm>> -> memref<4096xf32, #tpu.memory_space<hbm>>
        %dma_wait3A_404 = tpu.memref_slice %arg17[%dma_wait3A_400] : memref<2x!tpu.dma_semaphore, #tpu.memory_space<semaphore_mem>> -> memref<1x!tpu.dma_semaphore, #tpu.memory_space<semaphore_mem>>
        %dma_wait3A_405 = tpu.memref_squeeze %dma_wait3A_404 : memref<1x!tpu.dma_semaphore, #tpu.memory_space<semaphore_mem>> -> memref<!tpu.dma_semaphore, #tpu.memory_space<semaphore_mem>>
        %dma_wait3A_406 = arith.constant 0 : i32
        %dma_wait3A_407 = tpu.memref_slice %arg6[%select_n3A, %add3A_273, %dma_wait3A_406] : memref<16x256x4096xf32, #tpu.memory_space<hbm>> -> memref<1x1x4096xf32, #tpu.memory_space<hbm>>
        %dma_wait3A_408 = tpu.memref_squeeze %dma_wait3A_407 : memref<1x1x4096xf32, #tpu.memory_space<hbm>> -> memref<4096xf32, #tpu.memory_space<hbm>>
        tpu.wait_dma2 semaphore(%dma_wait3A_405 : memref<!tpu.dma_semaphore, #tpu.memory_space<semaphore_mem>>) src(%arg14 : memref<4096xf32, #tpu.memory_space<vmem>>) dst(%dma_wait3A_408 : memref<4096xf32, #tpu.memory_space<hbm>>)
      } else {
      }
      %scan3A_288 = arith.constant 0 : i32
      %scan3A_289 = arith.constant 0 : i32
      %scan3A_290 = arith.constant 16 : i32
      %scan3A_291 = arith.addi %scan3A_289, %scan3A_290 : i32
      %scan3A_292 = arith.constant 1 : i32
      scf.for %scan3A_400 = %scan3A_289 to %scan3A_291 step %scan3A_292  : i32 {
        %mul3A_401 = arith.constant 256 : i32
        %mul3A_402 = arith.muli %scan3A_400, %mul3A_401 : i32
        %add3A_403 = arith.constant 0 : i32
        %add3A_404 = arith.addi %mul3A_402, %add3A_403 : i32
        %get3A = arith.index_cast %add3A_404 : i32 to index
        %get3A_405 = tpu.vector_load %arg7[%get3A] {strides = array<i32>} : memref<4096xi32, #tpu.memory_space<vmem>>, vector<16xi32>,
        %gather3A = tpu.vector_load_idx %arg10[%get3A_405] : memref<16384xf32, #tpu.memory_space<vmem>>[vector<16xi32>], vector<16xf32>,
        %swap3A = arith.index_cast %add3A_404 : i32 to index
        %swap3A_406 = tpu.vector_load %arg14[%swap3A] {strides = array<i32>} : memref<4096xf32, #tpu.memory_space<vmem>>, vector<16xf32>,
        tpu.vector_store %arg14[%swap3A], %gather3A {strides = array<i32>} : memref<4096xf32, #tpu.memory_space<vmem>>, vector<16xf32>,
        %mul3A_407 = arith.constant 256 : i32
        %mul3A_408 = arith.muli %scan3A_400, %mul3A_407 : i32
        %add3A_409 = arith.constant 16 : i32
        %add3A_410 = arith.addi %mul3A_408, %add3A_409 : i32
        %get3A_411 = arith.index_cast %add3A_410 : i32 to index
        %get3A_412 = tpu.vector_load %arg7[%get3A_411] {strides = array<i32>} : memref<4096xi32, #tpu.memory_space<vmem>>, vector<16xi32>,
        %gather3A_413 = tpu.vector_load_idx %arg10[%get3A_412] : memref<16384xf32, #tpu.memory_space<vmem>>[vector<16xi32>], vector<16xf32>,
        %swap3A_414 = arith.index_cast %add3A_410 : i32 to index
        %swap3A_415 = tpu.vector_load %arg14[%swap3A_414] {strides = array<i32>} : memref<4096xf32, #tpu.memory_space<vmem>>, vector<16xf32>,
        tpu.vector_store %arg14[%swap3A_414], %gather3A_413 {strides = array<i32>} : memref<4096xf32, #tpu.memory_space<vmem>>, vector<16xf32>,
        %mul3A_416 = arith.constant 256 : i32
        %mul3A_417 = arith.muli %scan3A_400, %mul3A_416 : i32
        %add3A_418 = arith.constant 32 : i32
        %add3A_419 = arith.addi %mul3A_417, %add3A_418 : i32
        %get3A_420 = arith.index_cast %add3A_419 : i32 to index
        %get3A_421 = tpu.vector_load %arg7[%get3A_420] {strides = array<i32>} : memref<4096xi32, #tpu.memory_space<vmem>>, vector<16xi32>,
        %gather3A_422 = tpu.vector_load_idx %arg10[%get3A_421] : memref<16384xf32, #tpu.memory_space<vmem>>[vector<16xi32>], vector<16xf32>,
        %swap3A_423 = arith.index_cast %add3A_419 : i32 to index
        %swap3A_424 = tpu.vector_load %arg14[%swap3A_423] {strides = array<i32>} : memref<4096xf32, #tpu.memory_space<vmem>>, vector<16xf32>,
        tpu.vector_store %arg14[%swap3A_423], %gather3A_422 {strides = array<i32>} : memref<4096xf32, #tpu.memory_space<vmem>>, vector<16xf32>,
        %mul3A_425 = arith.constant 256 : i32
        %mul3A_426 = arith.muli %scan3A_400, %mul3A_425 : i32
        %add3A_427 = arith.constant 48 : i32
        %add3A_428 = arith.addi %mul3A_426, %add3A_427 : i32
        %get3A_429 = arith.index_cast %add3A_428 : i32 to index
        %get3A_430 = tpu.vector_load %arg7[%get3A_429] {strides = array<i32>} : memref<4096xi32, #tpu.memory_space<vmem>>, vector<16xi32>,
        %gather3A_431 = tpu.vector_load_idx %arg10[%get3A_430] : memref<16384xf32, #tpu.memory_space<vmem>>[vector<16xi32>], vector<16xf32>,
        %swap3A_432 = arith.index_cast %add3A_428 : i32 to index
        %swap3A_433 = tpu.vector_load %arg14[%swap3A_432] {strides = array<i32>} : memref<4096xf32, #tpu.memory_space<vmem>>, vector<16xf32>,
        tpu.vector_store %arg14[%swap3A_432], %gather3A_431 {strides = array<i32>} : memref<4096xf32, #tpu.memory_space<vmem>>, vector<16xf32>,
        %mul3A_434 = arith.constant 256 : i32
        %mul3A_435 = arith.muli %scan3A_400, %mul3A_434 : i32
        %add3A_436 = arith.constant 64 : i32
        %add3A_437 = arith.addi %mul3A_435, %add3A_436 : i32
        %get3A_438 = arith.index_cast %add3A_437 : i32 to index
        %get3A_439 = tpu.vector_load %arg7[%get3A_438] {strides = array<i32>} : memref<4096xi32, #tpu.memory_space<vmem>>, vector<16xi32>,
        %gather3A_440 = tpu.vector_load_idx %arg10[%get3A_439] : memref<16384xf32, #tpu.memory_space<vmem>>[vector<16xi32>], vector<16xf32>,
        %swap3A_441 = arith.index_cast %add3A_437 : i32 to index
        %swap3A_442 = tpu.vector_load %arg14[%swap3A_441] {strides = array<i32>} : memref<4096xf32, #tpu.memory_space<vmem>>, vector<16xf32>,
        tpu.vector_store %arg14[%swap3A_441], %gather3A_440 {strides = array<i32>} : memref<4096xf32, #tpu.memory_space<vmem>>, vector<16xf32>,
        %mul3A_443 = arith.constant 256 : i32
        %mul3A_444 = arith.muli %scan3A_400, %mul3A_443 : i32
        %add3A_445 = arith.constant 80 : i32
        %add3A_446 = arith.addi %mul3A_444, %add3A_445 : i32
        %get3A_447 = arith.index_cast %add3A_446 : i32 to index
        %get3A_448 = tpu.vector_load %arg7[%get3A_447] {strides = array<i32>} : memref<4096xi32, #tpu.memory_space<vmem>>, vector<16xi32>,
        %gather3A_449 = tpu.vector_load_idx %arg10[%get3A_448] : memref<16384xf32, #tpu.memory_space<vmem>>[vector<16xi32>], vector<16xf32>,
        %swap3A_450 = arith.index_cast %add3A_446 : i32 to index
        %swap3A_451 = tpu.vector_load %arg14[%swap3A_450] {strides = array<i32>} : memref<4096xf32, #tpu.memory_space<vmem>>, vector<16xf32>,
        tpu.vector_store %arg14[%swap3A_450], %gather3A_449 {strides = array<i32>} : memref<4096xf32, #tpu.memory_space<vmem>>, vector<16xf32>,
        %mul3A_452 = arith.constant 256 : i32
        %mul3A_453 = arith.muli %scan3A_400, %mul3A_452 : i32
        %add3A_454 = arith.constant 96 : i32
        %add3A_455 = arith.addi %mul3A_453, %add3A_454 : i32
        %get3A_456 = arith.index_cast %add3A_455 : i32 to index
        %get3A_457 = tpu.vector_load %arg7[%get3A_456] {strides = array<i32>} : memref<4096xi32, #tpu.memory_space<vmem>>, vector<16xi32>,
        %gather3A_458 = tpu.vector_load_idx %arg10[%get3A_457] : memref<16384xf32, #tpu.memory_space<vmem>>[vector<16xi32>], vector<16xf32>,
        %swap3A_459 = arith.index_cast %add3A_455 : i32 to index
        %swap3A_460 = tpu.vector_load %arg14[%swap3A_459] {strides = array<i32>} : memref<4096xf32, #tpu.memory_space<vmem>>, vector<16xf32>,
        tpu.vector_store %arg14[%swap3A_459], %gather3A_458 {strides = array<i32>} : memref<4096xf32, #tpu.memory_space<vmem>>, vector<16xf32>,
        %mul3A_461 = arith.constant 256 : i32
        %mul3A_462 = arith.muli %scan3A_400, %mul3A_461 : i32
        %add3A_463 = arith.constant 112 : i32
        %add3A_464 = arith.addi %mul3A_462, %add3A_463 : i32
        %get3A_465 = arith.index_cast %add3A_464 : i32 to index
        %get3A_466 = tpu.vector_load %arg7[%get3A_465] {strides = array<i32>} : memref<4096xi32, #tpu.memory_space<vmem>>, vector<16xi32>,
        %gather3A_467 = tpu.vector_load_idx %arg10[%get3A_466] : memref<16384xf32, #tpu.memory_space<vmem>>[vector<16xi32>], vector<16xf32>,
        %swap3A_468 = arith.index_cast %add3A_464 : i32 to index
        %swap3A_469 = tpu.vector_load %arg14[%swap3A_468] {strides = array<i32>} : memref<4096xf32, #tpu.memory_space<vmem>>, vector<16xf32>,
        tpu.vector_store %arg14[%swap3A_468], %gather3A_467 {strides = array<i32>} : memref<4096xf32, #tpu.memory_space<vmem>>, vector<16xf32>,
        %mul3A_470 = arith.constant 256 : i32
        %mul3A_471 = arith.muli %scan3A_400, %mul3A_470 : i32
        %add3A_472 = arith.constant 128 : i32
        %add3A_473 = arith.addi %mul3A_471, %add3A_472 : i32
        %get3A_474 = arith.index_cast %add3A_473 : i32 to index
        %get3A_475 = tpu.vector_load %arg7[%get3A_474] {strides = array<i32>} : memref<4096xi32, #tpu.memory_space<vmem>>, vector<16xi32>,
        %gather3A_476 = tpu.vector_load_idx %arg10[%get3A_475] : memref<16384xf32, #tpu.memory_space<vmem>>[vector<16xi32>], vector<16xf32>,
        %swap3A_477 = arith.index_cast %add3A_473 : i32 to index
        %swap3A_478 = tpu.vector_load %arg14[%swap3A_477] {strides = array<i32>} : memref<4096xf32, #tpu.memory_space<vmem>>, vector<16xf32>,
        tpu.vector_store %arg14[%swap3A_477], %gather3A_476 {strides = array<i32>} : memref<4096xf32, #tpu.memory_space<vmem>>, vector<16xf32>,
        %mul3A_479 = arith.constant 256 : i32
        %mul3A_480 = arith.muli %scan3A_400, %mul3A_479 : i32
        %add3A_481 = arith.constant 144 : i32
        %add3A_482 = arith.addi %mul3A_480, %add3A_481 : i32
        %get3A_483 = arith.index_cast %add3A_482 : i32 to index
        %get3A_484 = tpu.vector_load %arg7[%get3A_483] {strides = array<i32>} : memref<4096xi32, #tpu.memory_space<vmem>>, vector<16xi32>,
        %gather3A_485 = tpu.vector_load_idx %arg10[%get3A_484] : memref<16384xf32, #tpu.memory_space<vmem>>[vector<16xi32>], vector<16xf32>,
        %swap3A_486 = arith.index_cast %add3A_482 : i32 to index
        %swap3A_487 = tpu.vector_load %arg14[%swap3A_486] {strides = array<i32>} : memref<4096xf32, #tpu.memory_space<vmem>>, vector<16xf32>,
        tpu.vector_store %arg14[%swap3A_486], %gather3A_485 {strides = array<i32>} : memref<4096xf32, #tpu.memory_space<vmem>>, vector<16xf32>,
        %mul3A_488 = arith.constant 256 : i32
        %mul3A_489 = arith.muli %scan3A_400, %mul3A_488 : i32
        %add3A_490 = arith.constant 160 : i32
        %add3A_491 = arith.addi %mul3A_489, %add3A_490 : i32
        %get3A_492 = arith.index_cast %add3A_491 : i32 to index
        %get3A_493 = tpu.vector_load %arg7[%get3A_492] {strides = array<i32>} : memref<4096xi32, #tpu.memory_space<vmem>>, vector<16xi32>,
        %gather3A_494 = tpu.vector_load_idx %arg10[%get3A_493] : memref<16384xf32, #tpu.memory_space<vmem>>[vector<16xi32>], vector<16xf32>,
        %swap3A_495 = arith.index_cast %add3A_491 : i32 to index
        %swap3A_496 = tpu.vector_load %arg14[%swap3A_495] {strides = array<i32>} : memref<4096xf32, #tpu.memory_space<vmem>>, vector<16xf32>,
        tpu.vector_store %arg14[%swap3A_495], %gather3A_494 {strides = array<i32>} : memref<4096xf32, #tpu.memory_space<vmem>>, vector<16xf32>,
        %mul3A_497 = arith.constant 256 : i32
        %mul3A_498 = arith.muli %scan3A_400, %mul3A_497 : i32
        %add3A_499 = arith.constant 176 : i32
        %add3A_500 = arith.addi %mul3A_498, %add3A_499 : i32
        %get3A_501 = arith.index_cast %add3A_500 : i32 to index
        %get3A_502 = tpu.vector_load %arg7[%get3A_501] {strides = array<i32>} : memref<4096xi32, #tpu.memory_space<vmem>>, vector<16xi32>,
        %gather3A_503 = tpu.vector_load_idx %arg10[%get3A_502] : memref<16384xf32, #tpu.memory_space<vmem>>[vector<16xi32>], vector<16xf32>,
        %swap3A_504 = arith.index_cast %add3A_500 : i32 to index
        %swap3A_505 = tpu.vector_load %arg14[%swap3A_504] {strides = array<i32>} : memref<4096xf32, #tpu.memory_space<vmem>>, vector<16xf32>,
        tpu.vector_store %arg14[%swap3A_504], %gather3A_503 {strides = array<i32>} : memref<4096xf32, #tpu.memory_space<vmem>>, vector<16xf32>,
        %mul3A_506 = arith.constant 256 : i32
        %mul3A_507 = arith.muli %scan3A_400, %mul3A_506 : i32
        %add3A_508 = arith.constant 192 : i32
        %add3A_509 = arith.addi %mul3A_507, %add3A_508 : i32
        %get3A_510 = arith.index_cast %add3A_509 : i32 to index
        %get3A_511 = tpu.vector_load %arg7[%get3A_510] {strides = array<i32>} : memref<4096xi32, #tpu.memory_space<vmem>>, vector<16xi32>,
        %gather3A_512 = tpu.vector_load_idx %arg10[%get3A_511] : memref<16384xf32, #tpu.memory_space<vmem>>[vector<16xi32>], vector<16xf32>,
        %swap3A_513 = arith.index_cast %add3A_509 : i32 to index
        %swap3A_514 = tpu.vector_load %arg14[%swap3A_513] {strides = array<i32>} : memref<4096xf32, #tpu.memory_space<vmem>>, vector<16xf32>,
        tpu.vector_store %arg14[%swap3A_513], %gather3A_512 {strides = array<i32>} : memref<4096xf32, #tpu.memory_space<vmem>>, vector<16xf32>,
        %mul3A_515 = arith.constant 256 : i32
        %mul3A_516 = arith.muli %scan3A_400, %mul3A_515 : i32
        %add3A_517 = arith.constant 208 : i32
        %add3A_518 = arith.addi %mul3A_516, %add3A_517 : i32
        %get3A_519 = arith.index_cast %add3A_518 : i32 to index
        %get3A_520 = tpu.vector_load %arg7[%get3A_519] {strides = array<i32>} : memref<4096xi32, #tpu.memory_space<vmem>>, vector<16xi32>,
        %gather3A_521 = tpu.vector_load_idx %arg10[%get3A_520] : memref<16384xf32, #tpu.memory_space<vmem>>[vector<16xi32>], vector<16xf32>,
        %swap3A_522 = arith.index_cast %add3A_518 : i32 to index
        %swap3A_523 = tpu.vector_load %arg14[%swap3A_522] {strides = array<i32>} : memref<4096xf32, #tpu.memory_space<vmem>>, vector<16xf32>,
        tpu.vector_store %arg14[%swap3A_522], %gather3A_521 {strides = array<i32>} : memref<4096xf32, #tpu.memory_space<vmem>>, vector<16xf32>,
        %mul3A_524 = arith.constant 256 : i32
        %mul3A_525 = arith.muli %scan3A_400, %mul3A_524 : i32
        %add3A_526 = arith.constant 224 : i32
        %add3A_527 = arith.addi %mul3A_525, %add3A_526 : i32
        %get3A_528 = arith.index_cast %add3A_527 : i32 to index
        %get3A_529 = tpu.vector_load %arg7[%get3A_528] {strides = array<i32>} : memref<4096xi32, #tpu.memory_space<vmem>>, vector<16xi32>,
        %gather3A_530 = tpu.vector_load_idx %arg10[%get3A_529] : memref<16384xf32, #tpu.memory_space<vmem>>[vector<16xi32>], vector<16xf32>,
        %swap3A_531 = arith.index_cast %add3A_527 : i32 to index
        %swap3A_532 = tpu.vector_load %arg14[%swap3A_531] {strides = array<i32>} : memref<4096xf32, #tpu.memory_space<vmem>>, vector<16xf32>,
        tpu.vector_store %arg14[%swap3A_531], %gather3A_530 {strides = array<i32>} : memref<4096xf32, #tpu.memory_space<vmem>>, vector<16xf32>,
        %mul3A_533 = arith.constant 256 : i32
        %mul3A_534 = arith.muli %scan3A_400, %mul3A_533 : i32
        %add3A_535 = arith.constant 240 : i32
        %add3A_536 = arith.addi %mul3A_534, %add3A_535 : i32
        %get3A_537 = arith.index_cast %add3A_536 : i32 to index
        %get3A_538 = tpu.vector_load %arg7[%get3A_537] {strides = array<i32>} : memref<4096xi32, #tpu.memory_space<vmem>>, vector<16xi32>,
        %gather3A_539 = tpu.vector_load_idx %arg10[%get3A_538] : memref<16384xf32, #tpu.memory_space<vmem>>[vector<16xi32>], vector<16xf32>,
        %swap3A_540 = arith.index_cast %add3A_536 : i32 to index
        %swap3A_541 = tpu.vector_load %arg14[%swap3A_540] {strides = array<i32>} : memref<4096xf32, #tpu.memory_space<vmem>>, vector<16xf32>,
        tpu.vector_store %arg14[%swap3A_540], %gather3A_539 {strides = array<i32>} : memref<4096xf32, #tpu.memory_space<vmem>>, vector<16xf32>,
      }
      %scan3A_293 = arith.constant 16 : i32
      %add3A_294 = arith.constant 4 : i32
      %add3A_295 = arith.addi %add3A_272, %add3A_294 : i32
      %lt3A_296 = arith.constant 128 : i32
      %lt3A_297 = arith.cmpi slt, %add3A_295, %lt3A_296 : i32
      %convert_element_type3A_298 = arith.extui %lt3A_297 : i1 to i32
      %cond3A_299 = arith.constant 0 : i32
      %cond3A_300 = arith.cmpi ne, %convert_element_type3A_298, %cond3A_299 : i32
      scf.if %cond3A_300 {
        %add3A_400 = arith.constant 4 : i32
        %add3A_401 = arith.addi %add3A_273, %add3A_400 : i32
        %dma_start3A_402 = arith.constant 1 : i32
        %dma_start3A_403 = arith.constant 0 : i32
        %dma_start3A_404 = tpu.memref_slice %arg3[%select_n3A, %add3A_401, %dma_start3A_403] : memref<16x256x16384xf32, #tpu.memory_space<hbm>> -> memref<1x1x16384xf32, #tpu.memory_space<hbm>>
        %dma_start3A_405 = tpu.memref_squeeze %dma_start3A_404 : memref<1x1x16384xf32, #tpu.memory_space<hbm>> -> memref<16384xf32, #tpu.memory_space<hbm>>
        %dma_start3A_406 = tpu.memref_slice %arg16[%dma_start3A_402] : memref<4x!tpu.dma_semaphore, #tpu.memory_space<semaphore_mem>> -> memref<1x!tpu.dma_semaphore, #tpu.memory_space<semaphore_mem>>
        %dma_start3A_407 = tpu.memref_squeeze %dma_start3A_406 : memref<1x!tpu.dma_semaphore, #tpu.memory_space<semaphore_mem>> -> memref<!tpu.dma_semaphore, #tpu.memory_space<semaphore_mem>>
        %dma_start3A_408 = arith.constant 0 : i32
        %dma_start3A_409 = tpu.memref_slice %arg3[%select_n3A, %add3A_401, %dma_start3A_408] : memref<16x256x16384xf32, #tpu.memory_space<hbm>> -> memref<1x1x16384xf32, #tpu.memory_space<hbm>>
        %dma_start3A_410 = tpu.memref_squeeze %dma_start3A_409 : memref<1x1x16384xf32, #tpu.memory_space<hbm>> -> memref<16384xf32, #tpu.memory_space<hbm>>
        tpu.enqueue_dma source(%dma_start3A_410 : memref<16384xf32, #tpu.memory_space<hbm>>) target(%arg10 : memref<16384xf32, #tpu.memory_space<vmem>>) target_semaphore(%dma_start3A_407 : memref<!tpu.dma_semaphore, #tpu.memory_space<semaphore_mem>>)
      } else {
      }
      %dma_start3A_301 = arith.constant 1 : i32
      %dma_start3A_302 = arith.constant 0 : i32
      %dma_start3A_303 = tpu.memref_slice %arg6[%select_n3A, %add3A_273, %dma_start3A_302] : memref<16x256x4096xf32, #tpu.memory_space<hbm>> -> memref<1x1x4096xf32, #tpu.memory_space<hbm>>
      %dma_start3A_304 = tpu.memref_squeeze %dma_start3A_303 : memref<1x1x4096xf32, #tpu.memory_space<hbm>> -> memref<4096xf32, #tpu.memory_space<hbm>>
      %dma_start3A_305 = tpu.memref_slice %arg17[%dma_start3A_301] : memref<2x!tpu.dma_semaphore, #tpu.memory_space<semaphore_mem>> -> memref<1x!tpu.dma_semaphore, #tpu.memory_space<semaphore_mem>>
      %dma_start3A_306 = tpu.memref_squeeze %dma_start3A_305 : memref<1x!tpu.dma_semaphore, #tpu.memory_space<semaphore_mem>> -> memref<!tpu.dma_semaphore, #tpu.memory_space<semaphore_mem>>
      %dma_start3A_307 = arith.constant 0 : i32
      %dma_start3A_308 = tpu.memref_slice %arg6[%select_n3A, %add3A_273, %dma_start3A_307] : memref<16x256x4096xf32, #tpu.memory_space<hbm>> -> memref<1x1x4096xf32, #tpu.memory_space<hbm>>
      %dma_start3A_309 = tpu.memref_squeeze %dma_start3A_308 : memref<1x1x4096xf32, #tpu.memory_space<hbm>> -> memref<4096xf32, #tpu.memory_space<hbm>>
      tpu.enqueue_dma source(%arg14 : memref<4096xf32, #tpu.memory_space<vmem>>) target(%dma_start3A_309 : memref<4096xf32, #tpu.memory_space<hbm>>) target_semaphore(%dma_start3A_306 : memref<!tpu.dma_semaphore, #tpu.memory_space<semaphore_mem>>)
      %mul3A_310 = arith.constant 4 : i32
      %mul3A_311 = arith.muli %scan3A_230, %mul3A_310 : i32
      %add3A_312 = arith.constant 2 : i32
      %add3A_313 = arith.addi %mul3A_311, %add3A_312 : i32
      %add3A_314 = arith.addi %mul3A_32, %add3A_313 : i32
      %dma_wait3A_315 = arith.constant 2 : i32
      %dma_wait3A_316 = arith.constant 0 : i32
      %dma_wait3A_317 = tpu.memref_slice %arg3[%select_n3A, %add3A_314, %dma_wait3A_316] : memref<16x256x16384xf32, #tpu.memory_space<hbm>> -> memref<1x1x16384xf32, #tpu.memory_space<hbm>>
      %dma_wait3A_318 = tpu.memref_squeeze %dma_wait3A_317 : memref<1x1x16384xf32, #tpu.memory_space<hbm>> -> memref<16384xf32, #tpu.memory_space<hbm>>
      %dma_wait3A_319 = tpu.memref_slice %arg16[%dma_wait3A_315] : memref<4x!tpu.dma_semaphore, #tpu.memory_space<semaphore_mem>> -> memref<1x!tpu.dma_semaphore, #tpu.memory_space<semaphore_mem>>
      %dma_wait3A_320 = tpu.memref_squeeze %dma_wait3A_319 : memref<1x!tpu.dma_semaphore, #tpu.memory_space<semaphore_mem>> -> memref<!tpu.dma_semaphore, #tpu.memory_space<semaphore_mem>>
      %dma_wait3A_321 = arith.constant 0 : i32
      %dma_wait3A_322 = tpu.memref_slice %arg3[%select_n3A, %add3A_314, %dma_wait3A_321] : memref<16x256x16384xf32, #tpu.memory_space<hbm>> -> memref<1x1x16384xf32, #tpu.memory_space<hbm>>
      %dma_wait3A_323 = tpu.memref_squeeze %dma_wait3A_322 : memref<1x1x16384xf32, #tpu.memory_space<hbm>> -> memref<16384xf32, #tpu.memory_space<hbm>>
      tpu.wait_dma2 semaphore(%dma_wait3A_320 : memref<!tpu.dma_semaphore, #tpu.memory_space<semaphore_mem>>) src(%dma_wait3A_323 : memref<16384xf32, #tpu.memory_space<hbm>>) dst(%arg11 : memref<16384xf32, #tpu.memory_space<vmem>>)
      %dma_wait3A_324 = arith.constant 0 : i32
      %dma_wait3A_325 = arith.constant 0 : i32
      %dma_wait3A_326 = tpu.memref_slice %arg6[%select_n3A, %add3A_314, %dma_wait3A_325] : memref<16x256x4096xf32, #tpu.memory_space<hbm>> -> memref<1x1x4096xf32, #tpu.memory_space<hbm>>
      %dma_wait3A_327 = tpu.memref_squeeze %dma_wait3A_326 : memref<1x1x4096xf32, #tpu.memory_space<hbm>> -> memref<4096xf32, #tpu.memory_space<hbm>>
      %dma_wait3A_328 = tpu.memref_slice %arg17[%dma_wait3A_324] : memref<2x!tpu.dma_semaphore, #tpu.memory_space<semaphore_mem>> -> memref<1x!tpu.dma_semaphore, #tpu.memory_space<semaphore_mem>>
      %dma_wait3A_329 = tpu.memref_squeeze %dma_wait3A_328 : memref<1x!tpu.dma_semaphore, #tpu.memory_space<semaphore_mem>> -> memref<!tpu.dma_semaphore, #tpu.memory_space<semaphore_mem>>
      %dma_wait3A_330 = arith.constant 0 : i32
      %dma_wait3A_331 = tpu.memref_slice %arg6[%select_n3A, %add3A_314, %dma_wait3A_330] : memref<16x256x4096xf32, #tpu.memory_space<hbm>> -> memref<1x1x4096xf32, #tpu.memory_space<hbm>>
      %dma_wait3A_332 = tpu.memref_squeeze %dma_wait3A_331 : memref<1x1x4096xf32, #tpu.memory_space<hbm>> -> memref<4096xf32, #tpu.memory_space<hbm>>
      tpu.wait_dma2 semaphore(%dma_wait3A_329 : memref<!tpu.dma_semaphore, #tpu.memory_space<semaphore_mem>>) src(%arg13 : memref<4096xf32, #tpu.memory_space<vmem>>) dst(%dma_wait3A_332 : memref<4096xf32, #tpu.memory_space<hbm>>)
      %scan3A_333 = arith.constant 0 : i32
      %scan3A_334 = arith.constant 0 : i32
      %scan3A_335 = arith.constant 16 : i32
      %scan3A_336 = arith.addi %scan3A_334, %scan3A_335 : i32
      %scan3A_337 = arith.constant 1 : i32
      scf.for %scan3A_400 = %scan3A_334 to %scan3A_336 step %scan3A_337  : i32 {
        %mul3A_401 = arith.constant 256 : i32
        %mul3A_402 = arith.muli %scan3A_400, %mul3A_401 : i32
        %add3A_403 = arith.constant 0 : i32
        %add3A_404 = arith.addi %mul3A_402, %add3A_403 : i32
        %get3A = arith.index_cast %add3A_404 : i32 to index
        %get3A_405 = tpu.vector_load %arg7[%get3A] {strides = array<i32>} : memref<4096xi32, #tpu.memory_space<vmem>>, vector<16xi32>,
        %gather3A = tpu.vector_load_idx %arg11[%get3A_405] : memref<16384xf32, #tpu.memory_space<vmem>>[vector<16xi32>], vector<16xf32>,
        %swap3A = arith.index_cast %add3A_404 : i32 to index
        %swap3A_406 = tpu.vector_load %arg13[%swap3A] {strides = array<i32>} : memref<4096xf32, #tpu.memory_space<vmem>>, vector<16xf32>,
        tpu.vector_store %arg13[%swap3A], %gather3A {strides = array<i32>} : memref<4096xf32, #tpu.memory_space<vmem>>, vector<16xf32>,
        %mul3A_407 = arith.constant 256 : i32
        %mul3A_408 = arith.muli %scan3A_400, %mul3A_407 : i32
        %add3A_409 = arith.constant 16 : i32
        %add3A_410 = arith.addi %mul3A_408, %add3A_409 : i32
        %get3A_411 = arith.index_cast %add3A_410 : i32 to index
        %get3A_412 = tpu.vector_load %arg7[%get3A_411] {strides = array<i32>} : memref<4096xi32, #tpu.memory_space<vmem>>, vector<16xi32>,
        %gather3A_413 = tpu.vector_load_idx %arg11[%get3A_412] : memref<16384xf32, #tpu.memory_space<vmem>>[vector<16xi32>], vector<16xf32>,
        %swap3A_414 = arith.index_cast %add3A_410 : i32 to index
        %swap3A_415 = tpu.vector_load %arg13[%swap3A_414] {strides = array<i32>} : memref<4096xf32, #tpu.memory_space<vmem>>, vector<16xf32>,
        tpu.vector_store %arg13[%swap3A_414], %gather3A_413 {strides = array<i32>} : memref<4096xf32, #tpu.memory_space<vmem>>, vector<16xf32>,
        %mul3A_416 = arith.constant 256 : i32
        %mul3A_417 = arith.muli %scan3A_400, %mul3A_416 : i32
        %add3A_418 = arith.constant 32 : i32
        %add3A_419 = arith.addi %mul3A_417, %add3A_418 : i32
        %get3A_420 = arith.index_cast %add3A_419 : i32 to index
        %get3A_421 = tpu.vector_load %arg7[%get3A_420] {strides = array<i32>} : memref<4096xi32, #tpu.memory_space<vmem>>, vector<16xi32>,
        %gather3A_422 = tpu.vector_load_idx %arg11[%get3A_421] : memref<16384xf32, #tpu.memory_space<vmem>>[vector<16xi32>], vector<16xf32>,
        %swap3A_423 = arith.index_cast %add3A_419 : i32 to index
        %swap3A_424 = tpu.vector_load %arg13[%swap3A_423] {strides = array<i32>} : memref<4096xf32, #tpu.memory_space<vmem>>, vector<16xf32>,
        tpu.vector_store %arg13[%swap3A_423], %gather3A_422 {strides = array<i32>} : memref<4096xf32, #tpu.memory_space<vmem>>, vector<16xf32>,
        %mul3A_425 = arith.constant 256 : i32
        %mul3A_426 = arith.muli %scan3A_400, %mul3A_425 : i32
        %add3A_427 = arith.constant 48 : i32
        %add3A_428 = arith.addi %mul3A_426, %add3A_427 : i32
        %get3A_429 = arith.index_cast %add3A_428 : i32 to index
        %get3A_430 = tpu.vector_load %arg7[%get3A_429] {strides = array<i32>} : memref<4096xi32, #tpu.memory_space<vmem>>, vector<16xi32>,
        %gather3A_431 = tpu.vector_load_idx %arg11[%get3A_430] : memref<16384xf32, #tpu.memory_space<vmem>>[vector<16xi32>], vector<16xf32>,
        %swap3A_432 = arith.index_cast %add3A_428 : i32 to index
        %swap3A_433 = tpu.vector_load %arg13[%swap3A_432] {strides = array<i32>} : memref<4096xf32, #tpu.memory_space<vmem>>, vector<16xf32>,
        tpu.vector_store %arg13[%swap3A_432], %gather3A_431 {strides = array<i32>} : memref<4096xf32, #tpu.memory_space<vmem>>, vector<16xf32>,
        %mul3A_434 = arith.constant 256 : i32
        %mul3A_435 = arith.muli %scan3A_400, %mul3A_434 : i32
        %add3A_436 = arith.constant 64 : i32
        %add3A_437 = arith.addi %mul3A_435, %add3A_436 : i32
        %get3A_438 = arith.index_cast %add3A_437 : i32 to index
        %get3A_439 = tpu.vector_load %arg7[%get3A_438] {strides = array<i32>} : memref<4096xi32, #tpu.memory_space<vmem>>, vector<16xi32>,
        %gather3A_440 = tpu.vector_load_idx %arg11[%get3A_439] : memref<16384xf32, #tpu.memory_space<vmem>>[vector<16xi32>], vector<16xf32>,
        %swap3A_441 = arith.index_cast %add3A_437 : i32 to index
        %swap3A_442 = tpu.vector_load %arg13[%swap3A_441] {strides = array<i32>} : memref<4096xf32, #tpu.memory_space<vmem>>, vector<16xf32>,
        tpu.vector_store %arg13[%swap3A_441], %gather3A_440 {strides = array<i32>} : memref<4096xf32, #tpu.memory_space<vmem>>, vector<16xf32>,
        %mul3A_443 = arith.constant 256 : i32
        %mul3A_444 = arith.muli %scan3A_400, %mul3A_443 : i32
        %add3A_445 = arith.constant 80 : i32
        %add3A_446 = arith.addi %mul3A_444, %add3A_445 : i32
        %get3A_447 = arith.index_cast %add3A_446 : i32 to index
        %get3A_448 = tpu.vector_load %arg7[%get3A_447] {strides = array<i32>} : memref<4096xi32, #tpu.memory_space<vmem>>, vector<16xi32>,
        %gather3A_449 = tpu.vector_load_idx %arg11[%get3A_448] : memref<16384xf32, #tpu.memory_space<vmem>>[vector<16xi32>], vector<16xf32>,
        %swap3A_450 = arith.index_cast %add3A_446 : i32 to index
        %swap3A_451 = tpu.vector_load %arg13[%swap3A_450] {strides = array<i32>} : memref<4096xf32, #tpu.memory_space<vmem>>, vector<16xf32>,
        tpu.vector_store %arg13[%swap3A_450], %gather3A_449 {strides = array<i32>} : memref<4096xf32, #tpu.memory_space<vmem>>, vector<16xf32>,
        %mul3A_452 = arith.constant 256 : i32
        %mul3A_453 = arith.muli %scan3A_400, %mul3A_452 : i32
        %add3A_454 = arith.constant 96 : i32
        %add3A_455 = arith.addi %mul3A_453, %add3A_454 : i32
        %get3A_456 = arith.index_cast %add3A_455 : i32 to index
        %get3A_457 = tpu.vector_load %arg7[%get3A_456] {strides = array<i32>} : memref<4096xi32, #tpu.memory_space<vmem>>, vector<16xi32>,
        %gather3A_458 = tpu.vector_load_idx %arg11[%get3A_457] : memref<16384xf32, #tpu.memory_space<vmem>>[vector<16xi32>], vector<16xf32>,
        %swap3A_459 = arith.index_cast %add3A_455 : i32 to index
        %swap3A_460 = tpu.vector_load %arg13[%swap3A_459] {strides = array<i32>} : memref<4096xf32, #tpu.memory_space<vmem>>, vector<16xf32>,
        tpu.vector_store %arg13[%swap3A_459], %gather3A_458 {strides = array<i32>} : memref<4096xf32, #tpu.memory_space<vmem>>, vector<16xf32>,
        %mul3A_461 = arith.constant 256 : i32
        %mul3A_462 = arith.muli %scan3A_400, %mul3A_461 : i32
        %add3A_463 = arith.constant 112 : i32
        %add3A_464 = arith.addi %mul3A_462, %add3A_463 : i32
        %get3A_465 = arith.index_cast %add3A_464 : i32 to index
        %get3A_466 = tpu.vector_load %arg7[%get3A_465] {strides = array<i32>} : memref<4096xi32, #tpu.memory_space<vmem>>, vector<16xi32>,
        %gather3A_467 = tpu.vector_load_idx %arg11[%get3A_466] : memref<16384xf32, #tpu.memory_space<vmem>>[vector<16xi32>], vector<16xf32>,
        %swap3A_468 = arith.index_cast %add3A_464 : i32 to index
        %swap3A_469 = tpu.vector_load %arg13[%swap3A_468] {strides = array<i32>} : memref<4096xf32, #tpu.memory_space<vmem>>, vector<16xf32>,
        tpu.vector_store %arg13[%swap3A_468], %gather3A_467 {strides = array<i32>} : memref<4096xf32, #tpu.memory_space<vmem>>, vector<16xf32>,
        %mul3A_470 = arith.constant 256 : i32
        %mul3A_471 = arith.muli %scan3A_400, %mul3A_470 : i32
        %add3A_472 = arith.constant 128 : i32
        %add3A_473 = arith.addi %mul3A_471, %add3A_472 : i32
        %get3A_474 = arith.index_cast %add3A_473 : i32 to index
        %get3A_475 = tpu.vector_load %arg7[%get3A_474] {strides = array<i32>} : memref<4096xi32, #tpu.memory_space<vmem>>, vector<16xi32>,
        %gather3A_476 = tpu.vector_load_idx %arg11[%get3A_475] : memref<16384xf32, #tpu.memory_space<vmem>>[vector<16xi32>], vector<16xf32>,
        %swap3A_477 = arith.index_cast %add3A_473 : i32 to index
        %swap3A_478 = tpu.vector_load %arg13[%swap3A_477] {strides = array<i32>} : memref<4096xf32, #tpu.memory_space<vmem>>, vector<16xf32>,
        tpu.vector_store %arg13[%swap3A_477], %gather3A_476 {strides = array<i32>} : memref<4096xf32, #tpu.memory_space<vmem>>, vector<16xf32>,
        %mul3A_479 = arith.constant 256 : i32
        %mul3A_480 = arith.muli %scan3A_400, %mul3A_479 : i32
        %add3A_481 = arith.constant 144 : i32
        %add3A_482 = arith.addi %mul3A_480, %add3A_481 : i32
        %get3A_483 = arith.index_cast %add3A_482 : i32 to index
        %get3A_484 = tpu.vector_load %arg7[%get3A_483] {strides = array<i32>} : memref<4096xi32, #tpu.memory_space<vmem>>, vector<16xi32>,
        %gather3A_485 = tpu.vector_load_idx %arg11[%get3A_484] : memref<16384xf32, #tpu.memory_space<vmem>>[vector<16xi32>], vector<16xf32>,
        %swap3A_486 = arith.index_cast %add3A_482 : i32 to index
        %swap3A_487 = tpu.vector_load %arg13[%swap3A_486] {strides = array<i32>} : memref<4096xf32, #tpu.memory_space<vmem>>, vector<16xf32>,
        tpu.vector_store %arg13[%swap3A_486], %gather3A_485 {strides = array<i32>} : memref<4096xf32, #tpu.memory_space<vmem>>, vector<16xf32>,
        %mul3A_488 = arith.constant 256 : i32
        %mul3A_489 = arith.muli %scan3A_400, %mul3A_488 : i32
        %add3A_490 = arith.constant 160 : i32
        %add3A_491 = arith.addi %mul3A_489, %add3A_490 : i32
        %get3A_492 = arith.index_cast %add3A_491 : i32 to index
        %get3A_493 = tpu.vector_load %arg7[%get3A_492] {strides = array<i32>} : memref<4096xi32, #tpu.memory_space<vmem>>, vector<16xi32>,
        %gather3A_494 = tpu.vector_load_idx %arg11[%get3A_493] : memref<16384xf32, #tpu.memory_space<vmem>>[vector<16xi32>], vector<16xf32>,
        %swap3A_495 = arith.index_cast %add3A_491 : i32 to index
        %swap3A_496 = tpu.vector_load %arg13[%swap3A_495] {strides = array<i32>} : memref<4096xf32, #tpu.memory_space<vmem>>, vector<16xf32>,
        tpu.vector_store %arg13[%swap3A_495], %gather3A_494 {strides = array<i32>} : memref<4096xf32, #tpu.memory_space<vmem>>, vector<16xf32>,
        %mul3A_497 = arith.constant 256 : i32
        %mul3A_498 = arith.muli %scan3A_400, %mul3A_497 : i32
        %add3A_499 = arith.constant 176 : i32
        %add3A_500 = arith.addi %mul3A_498, %add3A_499 : i32
        %get3A_501 = arith.index_cast %add3A_500 : i32 to index
        %get3A_502 = tpu.vector_load %arg7[%get3A_501] {strides = array<i32>} : memref<4096xi32, #tpu.memory_space<vmem>>, vector<16xi32>,
        %gather3A_503 = tpu.vector_load_idx %arg11[%get3A_502] : memref<16384xf32, #tpu.memory_space<vmem>>[vector<16xi32>], vector<16xf32>,
        %swap3A_504 = arith.index_cast %add3A_500 : i32 to index
        %swap3A_505 = tpu.vector_load %arg13[%swap3A_504] {strides = array<i32>} : memref<4096xf32, #tpu.memory_space<vmem>>, vector<16xf32>,
        tpu.vector_store %arg13[%swap3A_504], %gather3A_503 {strides = array<i32>} : memref<4096xf32, #tpu.memory_space<vmem>>, vector<16xf32>,
        %mul3A_506 = arith.constant 256 : i32
        %mul3A_507 = arith.muli %scan3A_400, %mul3A_506 : i32
        %add3A_508 = arith.constant 192 : i32
        %add3A_509 = arith.addi %mul3A_507, %add3A_508 : i32
        %get3A_510 = arith.index_cast %add3A_509 : i32 to index
        %get3A_511 = tpu.vector_load %arg7[%get3A_510] {strides = array<i32>} : memref<4096xi32, #tpu.memory_space<vmem>>, vector<16xi32>,
        %gather3A_512 = tpu.vector_load_idx %arg11[%get3A_511] : memref<16384xf32, #tpu.memory_space<vmem>>[vector<16xi32>], vector<16xf32>,
        %swap3A_513 = arith.index_cast %add3A_509 : i32 to index
        %swap3A_514 = tpu.vector_load %arg13[%swap3A_513] {strides = array<i32>} : memref<4096xf32, #tpu.memory_space<vmem>>, vector<16xf32>,
        tpu.vector_store %arg13[%swap3A_513], %gather3A_512 {strides = array<i32>} : memref<4096xf32, #tpu.memory_space<vmem>>, vector<16xf32>,
        %mul3A_515 = arith.constant 256 : i32
        %mul3A_516 = arith.muli %scan3A_400, %mul3A_515 : i32
        %add3A_517 = arith.constant 208 : i32
        %add3A_518 = arith.addi %mul3A_516, %add3A_517 : i32
        %get3A_519 = arith.index_cast %add3A_518 : i32 to index
        %get3A_520 = tpu.vector_load %arg7[%get3A_519] {strides = array<i32>} : memref<4096xi32, #tpu.memory_space<vmem>>, vector<16xi32>,
        %gather3A_521 = tpu.vector_load_idx %arg11[%get3A_520] : memref<16384xf32, #tpu.memory_space<vmem>>[vector<16xi32>], vector<16xf32>,
        %swap3A_522 = arith.index_cast %add3A_518 : i32 to index
        %swap3A_523 = tpu.vector_load %arg13[%swap3A_522] {strides = array<i32>} : memref<4096xf32, #tpu.memory_space<vmem>>, vector<16xf32>,
        tpu.vector_store %arg13[%swap3A_522], %gather3A_521 {strides = array<i32>} : memref<4096xf32, #tpu.memory_space<vmem>>, vector<16xf32>,
        %mul3A_524 = arith.constant 256 : i32
        %mul3A_525 = arith.muli %scan3A_400, %mul3A_524 : i32
        %add3A_526 = arith.constant 224 : i32
        %add3A_527 = arith.addi %mul3A_525, %add3A_526 : i32
        %get3A_528 = arith.index_cast %add3A_527 : i32 to index
        %get3A_529 = tpu.vector_load %arg7[%get3A_528] {strides = array<i32>} : memref<4096xi32, #tpu.memory_space<vmem>>, vector<16xi32>,
        %gather3A_530 = tpu.vector_load_idx %arg11[%get3A_529] : memref<16384xf32, #tpu.memory_space<vmem>>[vector<16xi32>], vector<16xf32>,
        %swap3A_531 = arith.index_cast %add3A_527 : i32 to index
        %swap3A_532 = tpu.vector_load %arg13[%swap3A_531] {strides = array<i32>} : memref<4096xf32, #tpu.memory_space<vmem>>, vector<16xf32>,
        tpu.vector_store %arg13[%swap3A_531], %gather3A_530 {strides = array<i32>} : memref<4096xf32, #tpu.memory_space<vmem>>, vector<16xf32>,
        %mul3A_533 = arith.constant 256 : i32
        %mul3A_534 = arith.muli %scan3A_400, %mul3A_533 : i32
        %add3A_535 = arith.constant 240 : i32
        %add3A_536 = arith.addi %mul3A_534, %add3A_535 : i32
        %get3A_537 = arith.index_cast %add3A_536 : i32 to index
        %get3A_538 = tpu.vector_load %arg7[%get3A_537] {strides = array<i32>} : memref<4096xi32, #tpu.memory_space<vmem>>, vector<16xi32>,
        %gather3A_539 = tpu.vector_load_idx %arg11[%get3A_538] : memref<16384xf32, #tpu.memory_space<vmem>>[vector<16xi32>], vector<16xf32>,
        %swap3A_540 = arith.index_cast %add3A_536 : i32 to index
        %swap3A_541 = tpu.vector_load %arg13[%swap3A_540] {strides = array<i32>} : memref<4096xf32, #tpu.memory_space<vmem>>, vector<16xf32>,
        tpu.vector_store %arg13[%swap3A_540], %gather3A_539 {strides = array<i32>} : memref<4096xf32, #tpu.memory_space<vmem>>, vector<16xf32>,
      }
      %scan3A_338 = arith.constant 16 : i32
      %add3A_339 = arith.constant 4 : i32
      %add3A_340 = arith.addi %add3A_313, %add3A_339 : i32
      %lt3A_341 = arith.constant 128 : i32
      %lt3A_342 = arith.cmpi slt, %add3A_340, %lt3A_341 : i32
      %convert_element_type3A_343 = arith.extui %lt3A_342 : i1 to i32
      %cond3A_344 = arith.constant 0 : i32
      %cond3A_345 = arith.cmpi ne, %convert_element_type3A_343, %cond3A_344 : i32
      scf.if %cond3A_345 {
        %add3A_400 = arith.constant 4 : i32
        %add3A_401 = arith.addi %add3A_314, %add3A_400 : i32
        %dma_start3A_402 = arith.constant 2 : i32
        %dma_start3A_403 = arith.constant 0 : i32
        %dma_start3A_404 = tpu.memref_slice %arg3[%select_n3A, %add3A_401, %dma_start3A_403] : memref<16x256x16384xf32, #tpu.memory_space<hbm>> -> memref<1x1x16384xf32, #tpu.memory_space<hbm>>
        %dma_start3A_405 = tpu.memref_squeeze %dma_start3A_404 : memref<1x1x16384xf32, #tpu.memory_space<hbm>> -> memref<16384xf32, #tpu.memory_space<hbm>>
        %dma_start3A_406 = tpu.memref_slice %arg16[%dma_start3A_402] : memref<4x!tpu.dma_semaphore, #tpu.memory_space<semaphore_mem>> -> memref<1x!tpu.dma_semaphore, #tpu.memory_space<semaphore_mem>>
        %dma_start3A_407 = tpu.memref_squeeze %dma_start3A_406 : memref<1x!tpu.dma_semaphore, #tpu.memory_space<semaphore_mem>> -> memref<!tpu.dma_semaphore, #tpu.memory_space<semaphore_mem>>
        %dma_start3A_408 = arith.constant 0 : i32
        %dma_start3A_409 = tpu.memref_slice %arg3[%select_n3A, %add3A_401, %dma_start3A_408] : memref<16x256x16384xf32, #tpu.memory_space<hbm>> -> memref<1x1x16384xf32, #tpu.memory_space<hbm>>
        %dma_start3A_410 = tpu.memref_squeeze %dma_start3A_409 : memref<1x1x16384xf32, #tpu.memory_space<hbm>> -> memref<16384xf32, #tpu.memory_space<hbm>>
        tpu.enqueue_dma source(%dma_start3A_410 : memref<16384xf32, #tpu.memory_space<hbm>>) target(%arg11 : memref<16384xf32, #tpu.memory_space<vmem>>) target_semaphore(%dma_start3A_407 : memref<!tpu.dma_semaphore, #tpu.memory_space<semaphore_mem>>)
      } else {
      }
      %dma_start3A_346 = arith.constant 0 : i32
      %dma_start3A_347 = arith.constant 0 : i32
      %dma_start3A_348 = tpu.memref_slice %arg6[%select_n3A, %add3A_314, %dma_start3A_347] : memref<16x256x4096xf32, #tpu.memory_space<hbm>> -> memref<1x1x4096xf32, #tpu.memory_space<hbm>>
      %dma_start3A_349 = tpu.memref_squeeze %dma_start3A_348 : memref<1x1x4096xf32, #tpu.memory_space<hbm>> -> memref<4096xf32, #tpu.memory_space<hbm>>
      %dma_start3A_350 = tpu.memref_slice %arg17[%dma_start3A_346] : memref<2x!tpu.dma_semaphore, #tpu.memory_space<semaphore_mem>> -> memref<1x!tpu.dma_semaphore, #tpu.memory_space<semaphore_mem>>
      %dma_start3A_351 = tpu.memref_squeeze %dma_start3A_350 : memref<1x!tpu.dma_semaphore, #tpu.memory_space<semaphore_mem>> -> memref<!tpu.dma_semaphore, #tpu.memory_space<semaphore_mem>>
      %dma_start3A_352 = arith.constant 0 : i32
      %dma_start3A_353 = tpu.memref_slice %arg6[%select_n3A, %add3A_314, %dma_start3A_352] : memref<16x256x4096xf32, #tpu.memory_space<hbm>> -> memref<1x1x4096xf32, #tpu.memory_space<hbm>>
      %dma_start3A_354 = tpu.memref_squeeze %dma_start3A_353 : memref<1x1x4096xf32, #tpu.memory_space<hbm>> -> memref<4096xf32, #tpu.memory_space<hbm>>
      tpu.enqueue_dma source(%arg13 : memref<4096xf32, #tpu.memory_space<vmem>>) target(%dma_start3A_354 : memref<4096xf32, #tpu.memory_space<hbm>>) target_semaphore(%dma_start3A_351 : memref<!tpu.dma_semaphore, #tpu.memory_space<semaphore_mem>>)
      %mul3A_355 = arith.constant 4 : i32
      %mul3A_356 = arith.muli %scan3A_230, %mul3A_355 : i32
      %add3A_357 = arith.constant 3 : i32
      %add3A_358 = arith.addi %mul3A_356, %add3A_357 : i32
      %add3A_359 = arith.addi %mul3A_32, %add3A_358 : i32
      %dma_wait3A_360 = arith.constant 3 : i32
      %dma_wait3A_361 = arith.constant 0 : i32
      %dma_wait3A_362 = tpu.memref_slice %arg3[%select_n3A, %add3A_359, %dma_wait3A_361] : memref<16x256x16384xf32, #tpu.memory_space<hbm>> -> memref<1x1x16384xf32, #tpu.memory_space<hbm>>
      %dma_wait3A_363 = tpu.memref_squeeze %dma_wait3A_362 : memref<1x1x16384xf32, #tpu.memory_space<hbm>> -> memref<16384xf32, #tpu.memory_space<hbm>>
      %dma_wait3A_364 = tpu.memref_slice %arg16[%dma_wait3A_360] : memref<4x!tpu.dma_semaphore, #tpu.memory_space<semaphore_mem>> -> memref<1x!tpu.dma_semaphore, #tpu.memory_space<semaphore_mem>>
      %dma_wait3A_365 = tpu.memref_squeeze %dma_wait3A_364 : memref<1x!tpu.dma_semaphore, #tpu.memory_space<semaphore_mem>> -> memref<!tpu.dma_semaphore, #tpu.memory_space<semaphore_mem>>
      %dma_wait3A_366 = arith.constant 0 : i32
      %dma_wait3A_367 = tpu.memref_slice %arg3[%select_n3A, %add3A_359, %dma_wait3A_366] : memref<16x256x16384xf32, #tpu.memory_space<hbm>> -> memref<1x1x16384xf32, #tpu.memory_space<hbm>>
      %dma_wait3A_368 = tpu.memref_squeeze %dma_wait3A_367 : memref<1x1x16384xf32, #tpu.memory_space<hbm>> -> memref<16384xf32, #tpu.memory_space<hbm>>
      tpu.wait_dma2 semaphore(%dma_wait3A_365 : memref<!tpu.dma_semaphore, #tpu.memory_space<semaphore_mem>>) src(%dma_wait3A_368 : memref<16384xf32, #tpu.memory_space<hbm>>) dst(%arg12 : memref<16384xf32, #tpu.memory_space<vmem>>)
      %dma_wait3A_369 = arith.constant 1 : i32
      %dma_wait3A_370 = arith.constant 0 : i32
      %dma_wait3A_371 = tpu.memref_slice %arg6[%select_n3A, %add3A_359, %dma_wait3A_370] : memref<16x256x4096xf32, #tpu.memory_space<hbm>> -> memref<1x1x4096xf32, #tpu.memory_space<hbm>>
      %dma_wait3A_372 = tpu.memref_squeeze %dma_wait3A_371 : memref<1x1x4096xf32, #tpu.memory_space<hbm>> -> memref<4096xf32, #tpu.memory_space<hbm>>
      %dma_wait3A_373 = tpu.memref_slice %arg17[%dma_wait3A_369] : memref<2x!tpu.dma_semaphore, #tpu.memory_space<semaphore_mem>> -> memref<1x!tpu.dma_semaphore, #tpu.memory_space<semaphore_mem>>
      %dma_wait3A_374 = tpu.memref_squeeze %dma_wait3A_373 : memref<1x!tpu.dma_semaphore, #tpu.memory_space<semaphore_mem>> -> memref<!tpu.dma_semaphore, #tpu.memory_space<semaphore_mem>>
      %dma_wait3A_375 = arith.constant 0 : i32
      %dma_wait3A_376 = tpu.memref_slice %arg6[%select_n3A, %add3A_359, %dma_wait3A_375] : memref<16x256x4096xf32, #tpu.memory_space<hbm>> -> memref<1x1x4096xf32, #tpu.memory_space<hbm>>
      %dma_wait3A_377 = tpu.memref_squeeze %dma_wait3A_376 : memref<1x1x4096xf32, #tpu.memory_space<hbm>> -> memref<4096xf32, #tpu.memory_space<hbm>>
      tpu.wait_dma2 semaphore(%dma_wait3A_374 : memref<!tpu.dma_semaphore, #tpu.memory_space<semaphore_mem>>) src(%arg14 : memref<4096xf32, #tpu.memory_space<vmem>>) dst(%dma_wait3A_377 : memref<4096xf32, #tpu.memory_space<hbm>>)
      %scan3A_378 = arith.constant 0 : i32
      %scan3A_379 = arith.constant 0 : i32
      %scan3A_380 = arith.constant 16 : i32
      %scan3A_381 = arith.addi %scan3A_379, %scan3A_380 : i32
      %scan3A_382 = arith.constant 1 : i32
      scf.for %scan3A_400 = %scan3A_379 to %scan3A_381 step %scan3A_382  : i32 {
        %mul3A_401 = arith.constant 256 : i32
        %mul3A_402 = arith.muli %scan3A_400, %mul3A_401 : i32
        %add3A_403 = arith.constant 0 : i32
        %add3A_404 = arith.addi %mul3A_402, %add3A_403 : i32
        %get3A = arith.index_cast %add3A_404 : i32 to index
        %get3A_405 = tpu.vector_load %arg7[%get3A] {strides = array<i32>} : memref<4096xi32, #tpu.memory_space<vmem>>, vector<16xi32>,
        %gather3A = tpu.vector_load_idx %arg12[%get3A_405] : memref<16384xf32, #tpu.memory_space<vmem>>[vector<16xi32>], vector<16xf32>,
        %swap3A = arith.index_cast %add3A_404 : i32 to index
        %swap3A_406 = tpu.vector_load %arg14[%swap3A] {strides = array<i32>} : memref<4096xf32, #tpu.memory_space<vmem>>, vector<16xf32>,
        tpu.vector_store %arg14[%swap3A], %gather3A {strides = array<i32>} : memref<4096xf32, #tpu.memory_space<vmem>>, vector<16xf32>,
        %mul3A_407 = arith.constant 256 : i32
        %mul3A_408 = arith.muli %scan3A_400, %mul3A_407 : i32
        %add3A_409 = arith.constant 16 : i32
        %add3A_410 = arith.addi %mul3A_408, %add3A_409 : i32
        %get3A_411 = arith.index_cast %add3A_410 : i32 to index
        %get3A_412 = tpu.vector_load %arg7[%get3A_411] {strides = array<i32>} : memref<4096xi32, #tpu.memory_space<vmem>>, vector<16xi32>,
        %gather3A_413 = tpu.vector_load_idx %arg12[%get3A_412] : memref<16384xf32, #tpu.memory_space<vmem>>[vector<16xi32>], vector<16xf32>,
        %swap3A_414 = arith.index_cast %add3A_410 : i32 to index
        %swap3A_415 = tpu.vector_load %arg14[%swap3A_414] {strides = array<i32>} : memref<4096xf32, #tpu.memory_space<vmem>>, vector<16xf32>,
        tpu.vector_store %arg14[%swap3A_414], %gather3A_413 {strides = array<i32>} : memref<4096xf32, #tpu.memory_space<vmem>>, vector<16xf32>,
        %mul3A_416 = arith.constant 256 : i32
        %mul3A_417 = arith.muli %scan3A_400, %mul3A_416 : i32
        %add3A_418 = arith.constant 32 : i32
        %add3A_419 = arith.addi %mul3A_417, %add3A_418 : i32
        %get3A_420 = arith.index_cast %add3A_419 : i32 to index
        %get3A_421 = tpu.vector_load %arg7[%get3A_420] {strides = array<i32>} : memref<4096xi32, #tpu.memory_space<vmem>>, vector<16xi32>,
        %gather3A_422 = tpu.vector_load_idx %arg12[%get3A_421] : memref<16384xf32, #tpu.memory_space<vmem>>[vector<16xi32>], vector<16xf32>,
        %swap3A_423 = arith.index_cast %add3A_419 : i32 to index
        %swap3A_424 = tpu.vector_load %arg14[%swap3A_423] {strides = array<i32>} : memref<4096xf32, #tpu.memory_space<vmem>>, vector<16xf32>,
        tpu.vector_store %arg14[%swap3A_423], %gather3A_422 {strides = array<i32>} : memref<4096xf32, #tpu.memory_space<vmem>>, vector<16xf32>,
        %mul3A_425 = arith.constant 256 : i32
        %mul3A_426 = arith.muli %scan3A_400, %mul3A_425 : i32
        %add3A_427 = arith.constant 48 : i32
        %add3A_428 = arith.addi %mul3A_426, %add3A_427 : i32
        %get3A_429 = arith.index_cast %add3A_428 : i32 to index
        %get3A_430 = tpu.vector_load %arg7[%get3A_429] {strides = array<i32>} : memref<4096xi32, #tpu.memory_space<vmem>>, vector<16xi32>,
        %gather3A_431 = tpu.vector_load_idx %arg12[%get3A_430] : memref<16384xf32, #tpu.memory_space<vmem>>[vector<16xi32>], vector<16xf32>,
        %swap3A_432 = arith.index_cast %add3A_428 : i32 to index
        %swap3A_433 = tpu.vector_load %arg14[%swap3A_432] {strides = array<i32>} : memref<4096xf32, #tpu.memory_space<vmem>>, vector<16xf32>,
        tpu.vector_store %arg14[%swap3A_432], %gather3A_431 {strides = array<i32>} : memref<4096xf32, #tpu.memory_space<vmem>>, vector<16xf32>,
        %mul3A_434 = arith.constant 256 : i32
        %mul3A_435 = arith.muli %scan3A_400, %mul3A_434 : i32
        %add3A_436 = arith.constant 64 : i32
        %add3A_437 = arith.addi %mul3A_435, %add3A_436 : i32
        %get3A_438 = arith.index_cast %add3A_437 : i32 to index
        %get3A_439 = tpu.vector_load %arg7[%get3A_438] {strides = array<i32>} : memref<4096xi32, #tpu.memory_space<vmem>>, vector<16xi32>,
        %gather3A_440 = tpu.vector_load_idx %arg12[%get3A_439] : memref<16384xf32, #tpu.memory_space<vmem>>[vector<16xi32>], vector<16xf32>,
        %swap3A_441 = arith.index_cast %add3A_437 : i32 to index
        %swap3A_442 = tpu.vector_load %arg14[%swap3A_441] {strides = array<i32>} : memref<4096xf32, #tpu.memory_space<vmem>>, vector<16xf32>,
        tpu.vector_store %arg14[%swap3A_441], %gather3A_440 {strides = array<i32>} : memref<4096xf32, #tpu.memory_space<vmem>>, vector<16xf32>,
        %mul3A_443 = arith.constant 256 : i32
        %mul3A_444 = arith.muli %scan3A_400, %mul3A_443 : i32
        %add3A_445 = arith.constant 80 : i32
        %add3A_446 = arith.addi %mul3A_444, %add3A_445 : i32
        %get3A_447 = arith.index_cast %add3A_446 : i32 to index
        %get3A_448 = tpu.vector_load %arg7[%get3A_447] {strides = array<i32>} : memref<4096xi32, #tpu.memory_space<vmem>>, vector<16xi32>,
        %gather3A_449 = tpu.vector_load_idx %arg12[%get3A_448] : memref<16384xf32, #tpu.memory_space<vmem>>[vector<16xi32>], vector<16xf32>,
        %swap3A_450 = arith.index_cast %add3A_446 : i32 to index
        %swap3A_451 = tpu.vector_load %arg14[%swap3A_450] {strides = array<i32>} : memref<4096xf32, #tpu.memory_space<vmem>>, vector<16xf32>,
        tpu.vector_store %arg14[%swap3A_450], %gather3A_449 {strides = array<i32>} : memref<4096xf32, #tpu.memory_space<vmem>>, vector<16xf32>,
        %mul3A_452 = arith.constant 256 : i32
        %mul3A_453 = arith.muli %scan3A_400, %mul3A_452 : i32
        %add3A_454 = arith.constant 96 : i32
        %add3A_455 = arith.addi %mul3A_453, %add3A_454 : i32
        %get3A_456 = arith.index_cast %add3A_455 : i32 to index
        %get3A_457 = tpu.vector_load %arg7[%get3A_456] {strides = array<i32>} : memref<4096xi32, #tpu.memory_space<vmem>>, vector<16xi32>,
        %gather3A_458 = tpu.vector_load_idx %arg12[%get3A_457] : memref<16384xf32, #tpu.memory_space<vmem>>[vector<16xi32>], vector<16xf32>,
        %swap3A_459 = arith.index_cast %add3A_455 : i32 to index
        %swap3A_460 = tpu.vector_load %arg14[%swap3A_459] {strides = array<i32>} : memref<4096xf32, #tpu.memory_space<vmem>>, vector<16xf32>,
        tpu.vector_store %arg14[%swap3A_459], %gather3A_458 {strides = array<i32>} : memref<4096xf32, #tpu.memory_space<vmem>>, vector<16xf32>,
        %mul3A_461 = arith.constant 256 : i32
        %mul3A_462 = arith.muli %scan3A_400, %mul3A_461 : i32
        %add3A_463 = arith.constant 112 : i32
        %add3A_464 = arith.addi %mul3A_462, %add3A_463 : i32
        %get3A_465 = arith.index_cast %add3A_464 : i32 to index
        %get3A_466 = tpu.vector_load %arg7[%get3A_465] {strides = array<i32>} : memref<4096xi32, #tpu.memory_space<vmem>>, vector<16xi32>,
        %gather3A_467 = tpu.vector_load_idx %arg12[%get3A_466] : memref<16384xf32, #tpu.memory_space<vmem>>[vector<16xi32>], vector<16xf32>,
        %swap3A_468 = arith.index_cast %add3A_464 : i32 to index
        %swap3A_469 = tpu.vector_load %arg14[%swap3A_468] {strides = array<i32>} : memref<4096xf32, #tpu.memory_space<vmem>>, vector<16xf32>,
        tpu.vector_store %arg14[%swap3A_468], %gather3A_467 {strides = array<i32>} : memref<4096xf32, #tpu.memory_space<vmem>>, vector<16xf32>,
        %mul3A_470 = arith.constant 256 : i32
        %mul3A_471 = arith.muli %scan3A_400, %mul3A_470 : i32
        %add3A_472 = arith.constant 128 : i32
        %add3A_473 = arith.addi %mul3A_471, %add3A_472 : i32
        %get3A_474 = arith.index_cast %add3A_473 : i32 to index
        %get3A_475 = tpu.vector_load %arg7[%get3A_474] {strides = array<i32>} : memref<4096xi32, #tpu.memory_space<vmem>>, vector<16xi32>,
        %gather3A_476 = tpu.vector_load_idx %arg12[%get3A_475] : memref<16384xf32, #tpu.memory_space<vmem>>[vector<16xi32>], vector<16xf32>,
        %swap3A_477 = arith.index_cast %add3A_473 : i32 to index
        %swap3A_478 = tpu.vector_load %arg14[%swap3A_477] {strides = array<i32>} : memref<4096xf32, #tpu.memory_space<vmem>>, vector<16xf32>,
        tpu.vector_store %arg14[%swap3A_477], %gather3A_476 {strides = array<i32>} : memref<4096xf32, #tpu.memory_space<vmem>>, vector<16xf32>,
        %mul3A_479 = arith.constant 256 : i32
        %mul3A_480 = arith.muli %scan3A_400, %mul3A_479 : i32
        %add3A_481 = arith.constant 144 : i32
        %add3A_482 = arith.addi %mul3A_480, %add3A_481 : i32
        %get3A_483 = arith.index_cast %add3A_482 : i32 to index
        %get3A_484 = tpu.vector_load %arg7[%get3A_483] {strides = array<i32>} : memref<4096xi32, #tpu.memory_space<vmem>>, vector<16xi32>,
        %gather3A_485 = tpu.vector_load_idx %arg12[%get3A_484] : memref<16384xf32, #tpu.memory_space<vmem>>[vector<16xi32>], vector<16xf32>,
        %swap3A_486 = arith.index_cast %add3A_482 : i32 to index
        %swap3A_487 = tpu.vector_load %arg14[%swap3A_486] {strides = array<i32>} : memref<4096xf32, #tpu.memory_space<vmem>>, vector<16xf32>,
        tpu.vector_store %arg14[%swap3A_486], %gather3A_485 {strides = array<i32>} : memref<4096xf32, #tpu.memory_space<vmem>>, vector<16xf32>,
        %mul3A_488 = arith.constant 256 : i32
        %mul3A_489 = arith.muli %scan3A_400, %mul3A_488 : i32
        %add3A_490 = arith.constant 160 : i32
        %add3A_491 = arith.addi %mul3A_489, %add3A_490 : i32
        %get3A_492 = arith.index_cast %add3A_491 : i32 to index
        %get3A_493 = tpu.vector_load %arg7[%get3A_492] {strides = array<i32>} : memref<4096xi32, #tpu.memory_space<vmem>>, vector<16xi32>,
        %gather3A_494 = tpu.vector_load_idx %arg12[%get3A_493] : memref<16384xf32, #tpu.memory_space<vmem>>[vector<16xi32>], vector<16xf32>,
        %swap3A_495 = arith.index_cast %add3A_491 : i32 to index
        %swap3A_496 = tpu.vector_load %arg14[%swap3A_495] {strides = array<i32>} : memref<4096xf32, #tpu.memory_space<vmem>>, vector<16xf32>,
        tpu.vector_store %arg14[%swap3A_495], %gather3A_494 {strides = array<i32>} : memref<4096xf32, #tpu.memory_space<vmem>>, vector<16xf32>,
        %mul3A_497 = arith.constant 256 : i32
        %mul3A_498 = arith.muli %scan3A_400, %mul3A_497 : i32
        %add3A_499 = arith.constant 176 : i32
        %add3A_500 = arith.addi %mul3A_498, %add3A_499 : i32
        %get3A_501 = arith.index_cast %add3A_500 : i32 to index
        %get3A_502 = tpu.vector_load %arg7[%get3A_501] {strides = array<i32>} : memref<4096xi32, #tpu.memory_space<vmem>>, vector<16xi32>,
        %gather3A_503 = tpu.vector_load_idx %arg12[%get3A_502] : memref<16384xf32, #tpu.memory_space<vmem>>[vector<16xi32>], vector<16xf32>,
        %swap3A_504 = arith.index_cast %add3A_500 : i32 to index
        %swap3A_505 = tpu.vector_load %arg14[%swap3A_504] {strides = array<i32>} : memref<4096xf32, #tpu.memory_space<vmem>>, vector<16xf32>,
        tpu.vector_store %arg14[%swap3A_504], %gather3A_503 {strides = array<i32>} : memref<4096xf32, #tpu.memory_space<vmem>>, vector<16xf32>,
        %mul3A_506 = arith.constant 256 : i32
        %mul3A_507 = arith.muli %scan3A_400, %mul3A_506 : i32
        %add3A_508 = arith.constant 192 : i32
        %add3A_509 = arith.addi %mul3A_507, %add3A_508 : i32
        %get3A_510 = arith.index_cast %add3A_509 : i32 to index
        %get3A_511 = tpu.vector_load %arg7[%get3A_510] {strides = array<i32>} : memref<4096xi32, #tpu.memory_space<vmem>>, vector<16xi32>,
        %gather3A_512 = tpu.vector_load_idx %arg12[%get3A_511] : memref<16384xf32, #tpu.memory_space<vmem>>[vector<16xi32>], vector<16xf32>,
        %swap3A_513 = arith.index_cast %add3A_509 : i32 to index
        %swap3A_514 = tpu.vector_load %arg14[%swap3A_513] {strides = array<i32>} : memref<4096xf32, #tpu.memory_space<vmem>>, vector<16xf32>,
        tpu.vector_store %arg14[%swap3A_513], %gather3A_512 {strides = array<i32>} : memref<4096xf32, #tpu.memory_space<vmem>>, vector<16xf32>,
        %mul3A_515 = arith.constant 256 : i32
        %mul3A_516 = arith.muli %scan3A_400, %mul3A_515 : i32
        %add3A_517 = arith.constant 208 : i32
        %add3A_518 = arith.addi %mul3A_516, %add3A_517 : i32
        %get3A_519 = arith.index_cast %add3A_518 : i32 to index
        %get3A_520 = tpu.vector_load %arg7[%get3A_519] {strides = array<i32>} : memref<4096xi32, #tpu.memory_space<vmem>>, vector<16xi32>,
        %gather3A_521 = tpu.vector_load_idx %arg12[%get3A_520] : memref<16384xf32, #tpu.memory_space<vmem>>[vector<16xi32>], vector<16xf32>,
        %swap3A_522 = arith.index_cast %add3A_518 : i32 to index
        %swap3A_523 = tpu.vector_load %arg14[%swap3A_522] {strides = array<i32>} : memref<4096xf32, #tpu.memory_space<vmem>>, vector<16xf32>,
        tpu.vector_store %arg14[%swap3A_522], %gather3A_521 {strides = array<i32>} : memref<4096xf32, #tpu.memory_space<vmem>>, vector<16xf32>,
        %mul3A_524 = arith.constant 256 : i32
        %mul3A_525 = arith.muli %scan3A_400, %mul3A_524 : i32
        %add3A_526 = arith.constant 224 : i32
        %add3A_527 = arith.addi %mul3A_525, %add3A_526 : i32
        %get3A_528 = arith.index_cast %add3A_527 : i32 to index
        %get3A_529 = tpu.vector_load %arg7[%get3A_528] {strides = array<i32>} : memref<4096xi32, #tpu.memory_space<vmem>>, vector<16xi32>,
        %gather3A_530 = tpu.vector_load_idx %arg12[%get3A_529] : memref<16384xf32, #tpu.memory_space<vmem>>[vector<16xi32>], vector<16xf32>,
        %swap3A_531 = arith.index_cast %add3A_527 : i32 to index
        %swap3A_532 = tpu.vector_load %arg14[%swap3A_531] {strides = array<i32>} : memref<4096xf32, #tpu.memory_space<vmem>>, vector<16xf32>,
        tpu.vector_store %arg14[%swap3A_531], %gather3A_530 {strides = array<i32>} : memref<4096xf32, #tpu.memory_space<vmem>>, vector<16xf32>,
        %mul3A_533 = arith.constant 256 : i32
        %mul3A_534 = arith.muli %scan3A_400, %mul3A_533 : i32
        %add3A_535 = arith.constant 240 : i32
        %add3A_536 = arith.addi %mul3A_534, %add3A_535 : i32
        %get3A_537 = arith.index_cast %add3A_536 : i32 to index
        %get3A_538 = tpu.vector_load %arg7[%get3A_537] {strides = array<i32>} : memref<4096xi32, #tpu.memory_space<vmem>>, vector<16xi32>,
        %gather3A_539 = tpu.vector_load_idx %arg12[%get3A_538] : memref<16384xf32, #tpu.memory_space<vmem>>[vector<16xi32>], vector<16xf32>,
        %swap3A_540 = arith.index_cast %add3A_536 : i32 to index
        %swap3A_541 = tpu.vector_load %arg14[%swap3A_540] {strides = array<i32>} : memref<4096xf32, #tpu.memory_space<vmem>>, vector<16xf32>,
        tpu.vector_store %arg14[%swap3A_540], %gather3A_539 {strides = array<i32>} : memref<4096xf32, #tpu.memory_space<vmem>>, vector<16xf32>,
      }
      %scan3A_383 = arith.constant 16 : i32
      %add3A_384 = arith.constant 4 : i32
      %add3A_385 = arith.addi %add3A_358, %add3A_384 : i32
      %lt3A_386 = arith.constant 128 : i32
      %lt3A_387 = arith.cmpi slt, %add3A_385, %lt3A_386 : i32
      %convert_element_type3A_388 = arith.extui %lt3A_387 : i1 to i32
      %cond3A_389 = arith.constant 0 : i32
      %cond3A_390 = arith.cmpi ne, %convert_element_type3A_388, %cond3A_389 : i32
      scf.if %cond3A_390 {
        %add3A_400 = arith.constant 4 : i32
        %add3A_401 = arith.addi %add3A_359, %add3A_400 : i32
        %dma_start3A_402 = arith.constant 3 : i32
        %dma_start3A_403 = arith.constant 0 : i32
        %dma_start3A_404 = tpu.memref_slice %arg3[%select_n3A, %add3A_401, %dma_start3A_403] : memref<16x256x16384xf32, #tpu.memory_space<hbm>> -> memref<1x1x16384xf32, #tpu.memory_space<hbm>>
        %dma_start3A_405 = tpu.memref_squeeze %dma_start3A_404 : memref<1x1x16384xf32, #tpu.memory_space<hbm>> -> memref<16384xf32, #tpu.memory_space<hbm>>
        %dma_start3A_406 = tpu.memref_slice %arg16[%dma_start3A_402] : memref<4x!tpu.dma_semaphore, #tpu.memory_space<semaphore_mem>> -> memref<1x!tpu.dma_semaphore, #tpu.memory_space<semaphore_mem>>
        %dma_start3A_407 = tpu.memref_squeeze %dma_start3A_406 : memref<1x!tpu.dma_semaphore, #tpu.memory_space<semaphore_mem>> -> memref<!tpu.dma_semaphore, #tpu.memory_space<semaphore_mem>>
        %dma_start3A_408 = arith.constant 0 : i32
        %dma_start3A_409 = tpu.memref_slice %arg3[%select_n3A, %add3A_401, %dma_start3A_408] : memref<16x256x16384xf32, #tpu.memory_space<hbm>> -> memref<1x1x16384xf32, #tpu.memory_space<hbm>>
        %dma_start3A_410 = tpu.memref_squeeze %dma_start3A_409 : memref<1x1x16384xf32, #tpu.memory_space<hbm>> -> memref<16384xf32, #tpu.memory_space<hbm>>
        tpu.enqueue_dma source(%dma_start3A_410 : memref<16384xf32, #tpu.memory_space<hbm>>) target(%arg12 : memref<16384xf32, #tpu.memory_space<vmem>>) target_semaphore(%dma_start3A_407 : memref<!tpu.dma_semaphore, #tpu.memory_space<semaphore_mem>>)
      } else {
      }
      %dma_start3A_391 = arith.constant 1 : i32
      %dma_start3A_392 = arith.constant 0 : i32
      %dma_start3A_393 = tpu.memref_slice %arg6[%select_n3A, %add3A_359, %dma_start3A_392] : memref<16x256x4096xf32, #tpu.memory_space<hbm>> -> memref<1x1x4096xf32, #tpu.memory_space<hbm>>
      %dma_start3A_394 = tpu.memref_squeeze %dma_start3A_393 : memref<1x1x4096xf32, #tpu.memory_space<hbm>> -> memref<4096xf32, #tpu.memory_space<hbm>>
      %dma_start3A_395 = tpu.memref_slice %arg17[%dma_start3A_391] : memref<2x!tpu.dma_semaphore, #tpu.memory_space<semaphore_mem>> -> memref<1x!tpu.dma_semaphore, #tpu.memory_space<semaphore_mem>>
      %dma_start3A_396 = tpu.memref_squeeze %dma_start3A_395 : memref<1x!tpu.dma_semaphore, #tpu.memory_space<semaphore_mem>> -> memref<!tpu.dma_semaphore, #tpu.memory_space<semaphore_mem>>
      %dma_start3A_397 = arith.constant 0 : i32
      %dma_start3A_398 = tpu.memref_slice %arg6[%select_n3A, %add3A_359, %dma_start3A_397] : memref<16x256x4096xf32, #tpu.memory_space<hbm>> -> memref<1x1x4096xf32, #tpu.memory_space<hbm>>
      %dma_start3A_399 = tpu.memref_squeeze %dma_start3A_398 : memref<1x1x4096xf32, #tpu.memory_space<hbm>> -> memref<4096xf32, #tpu.memory_space<hbm>>
      tpu.enqueue_dma source(%arg14 : memref<4096xf32, #tpu.memory_space<vmem>>) target(%dma_start3A_399 : memref<4096xf32, #tpu.memory_space<hbm>>) target_semaphore(%dma_start3A_396 : memref<!tpu.dma_semaphore, #tpu.memory_space<semaphore_mem>>)
    }
    %scan3A_175 = arith.constant 32 : i32
    %add3A_176 = arith.constant 128 : i32
    %add3A_177 = arith.addi %mul3A_32, %add3A_176 : i32
    %sub3A_178 = arith.constant 2 : i32
    %sub3A_179 = arith.subi %add3A_177, %sub3A_178 : i32
    %add3A_180 = arith.constant 0 : i32
    %add3A_181 = arith.addi %sub3A_179, %add3A_180 : i32
    %dma_wait3A_182 = arith.constant 0 : i32
    %dma_wait3A_183 = arith.constant 0 : i32
    %dma_wait3A_184 = tpu.memref_slice %arg6[%select_n3A, %add3A_181, %dma_wait3A_183] : memref<16x256x4096xf32, #tpu.memory_space<hbm>> -> memref<1x1x4096xf32, #tpu.memory_space<hbm>>
    %dma_wait3A_185 = tpu.memref_squeeze %dma_wait3A_184 : memref<1x1x4096xf32, #tpu.memory_space<hbm>> -> memref<4096xf32, #tpu.memory_space<hbm>>
    %dma_wait3A_186 = tpu.memref_slice %arg17[%dma_wait3A_182] : memref<2x!tpu.dma_semaphore, #tpu.memory_space<semaphore_mem>> -> memref<1x!tpu.dma_semaphore, #tpu.memory_space<semaphore_mem>>
    %dma_wait3A_187 = tpu.memref_squeeze %dma_wait3A_186 : memref<1x!tpu.dma_semaphore, #tpu.memory_space<semaphore_mem>> -> memref<!tpu.dma_semaphore, #tpu.memory_space<semaphore_mem>>
    %dma_wait3A_188 = arith.constant 0 : i32
    %dma_wait3A_189 = tpu.memref_slice %arg6[%select_n3A, %add3A_181, %dma_wait3A_188] : memref<16x256x4096xf32, #tpu.memory_space<hbm>> -> memref<1x1x4096xf32, #tpu.memory_space<hbm>>
    %dma_wait3A_190 = tpu.memref_squeeze %dma_wait3A_189 : memref<1x1x4096xf32, #tpu.memory_space<hbm>> -> memref<4096xf32, #tpu.memory_space<hbm>>
    tpu.wait_dma2 semaphore(%dma_wait3A_187 : memref<!tpu.dma_semaphore, #tpu.memory_space<semaphore_mem>>) src(%arg13 : memref<4096xf32, #tpu.memory_space<vmem>>) dst(%dma_wait3A_190 : memref<4096xf32, #tpu.memory_space<hbm>>)
    %add3A_191 = arith.constant 128 : i32
    %add3A_192 = arith.addi %mul3A_32, %add3A_191 : i32
    %sub3A_193 = arith.constant 2 : i32
    %sub3A_194 = arith.subi %add3A_192, %sub3A_193 : i32
    %add3A_195 = arith.constant 1 : i32
    %add3A_196 = arith.addi %sub3A_194, %add3A_195 : i32
    %dma_wait3A_197 = arith.constant 1 : i32
    %dma_wait3A_198 = arith.constant 0 : i32
    %dma_wait3A_199 = tpu.memref_slice %arg6[%select_n3A, %add3A_196, %dma_wait3A_198] : memref<16x256x4096xf32, #tpu.memory_space<hbm>> -> memref<1x1x4096xf32, #tpu.memory_space<hbm>>
    %dma_wait3A_200 = tpu.memref_squeeze %dma_wait3A_199 : memref<1x1x4096xf32, #tpu.memory_space<hbm>> -> memref<4096xf32, #tpu.memory_space<hbm>>
    %dma_wait3A_201 = tpu.memref_slice %arg17[%dma_wait3A_197] : memref<2x!tpu.dma_semaphore, #tpu.memory_space<semaphore_mem>> -> memref<1x!tpu.dma_semaphore, #tpu.memory_space<semaphore_mem>>
    %dma_wait3A_202 = tpu.memref_squeeze %dma_wait3A_201 : memref<1x!tpu.dma_semaphore, #tpu.memory_space<semaphore_mem>> -> memref<!tpu.dma_semaphore, #tpu.memory_space<semaphore_mem>>
    %dma_wait3A_203 = arith.constant 0 : i32
    %dma_wait3A_204 = tpu.memref_slice %arg6[%select_n3A, %add3A_196, %dma_wait3A_203] : memref<16x256x4096xf32, #tpu.memory_space<hbm>> -> memref<1x1x4096xf32, #tpu.memory_space<hbm>>
    %dma_wait3A_205 = tpu.memref_squeeze %dma_wait3A_204 : memref<1x1x4096xf32, #tpu.memory_space<hbm>> -> memref<4096xf32, #tpu.memory_space<hbm>>
    tpu.wait_dma2 semaphore(%dma_wait3A_202 : memref<!tpu.dma_semaphore, #tpu.memory_space<semaphore_mem>>) src(%arg14 : memref<4096xf32, #tpu.memory_space<vmem>>) dst(%dma_wait3A_205 : memref<4096xf32, #tpu.memory_space<hbm>>)
    %dma_wait3A_206 = arith.constant 0 : i32
    %dma_wait3A_207 = tpu.memref_slice %arg8[%dma_wait3A_206] : memref<6144xf32, #tpu.memory_space<vmem>> -> memref<2048xf32, #tpu.memory_space<vmem>>
    %dma_wait3A_208 = tpu.memref_slice %arg5[%add3A_98, %mul3A_100] : memref<48x4096xf32, #tpu.memory_space<hbm>> -> memref<1x2048xf32, #tpu.memory_space<hbm>>
    %dma_wait3A_209 = tpu.memref_squeeze %dma_wait3A_208 : memref<1x2048xf32, #tpu.memory_space<hbm>> -> memref<2048xf32, #tpu.memory_space<hbm>>
    %dma_wait3A_210 = tpu.memref_slice %arg5[%add3A_98, %mul3A_100] : memref<48x4096xf32, #tpu.memory_space<hbm>> -> memref<1x2048xf32, #tpu.memory_space<hbm>>
    %dma_wait3A_211 = tpu.memref_squeeze %dma_wait3A_210 : memref<1x2048xf32, #tpu.memory_space<hbm>> -> memref<2048xf32, #tpu.memory_space<hbm>>
    %dma_wait3A_212 = arith.constant 0 : i32
    %dma_wait3A_213 = tpu.memref_slice %arg8[%dma_wait3A_212] : memref<6144xf32, #tpu.memory_space<vmem>> -> memref<2048xf32, #tpu.memory_space<vmem>>
    tpu.wait_dma2 semaphore(%arg15 : memref<!tpu.dma_semaphore, #tpu.memory_space<semaphore_mem>>) src(%dma_wait3A_213 : memref<2048xf32, #tpu.memory_space<vmem>>) dst(%dma_wait3A_211 : memref<2048xf32, #tpu.memory_space<hbm>>)
    %dma_wait3A_214 = arith.constant 2048 : i32
    %dma_wait3A_215 = tpu.memref_slice %arg8[%dma_wait3A_214] : memref<6144xf32, #tpu.memory_space<vmem>> -> memref<2048xf32, #tpu.memory_space<vmem>>
    %dma_wait3A_216 = tpu.memref_slice %arg5[%add3A_112, %mul3A_114] : memref<48x4096xf32, #tpu.memory_space<hbm>> -> memref<1x2048xf32, #tpu.memory_space<hbm>>
    %dma_wait3A_217 = tpu.memref_squeeze %dma_wait3A_216 : memref<1x2048xf32, #tpu.memory_space<hbm>> -> memref<2048xf32, #tpu.memory_space<hbm>>
    %dma_wait3A_218 = tpu.memref_slice %arg5[%add3A_112, %mul3A_114] : memref<48x4096xf32, #tpu.memory_space<hbm>> -> memref<1x2048xf32, #tpu.memory_space<hbm>>
    %dma_wait3A_219 = tpu.memref_squeeze %dma_wait3A_218 : memref<1x2048xf32, #tpu.memory_space<hbm>> -> memref<2048xf32, #tpu.memory_space<hbm>>
    %dma_wait3A_220 = arith.constant 2048 : i32
    %dma_wait3A_221 = tpu.memref_slice %arg8[%dma_wait3A_220] : memref<6144xf32, #tpu.memory_space<vmem>> -> memref<2048xf32, #tpu.memory_space<vmem>>
    tpu.wait_dma2 semaphore(%arg15 : memref<!tpu.dma_semaphore, #tpu.memory_space<semaphore_mem>>) src(%dma_wait3A_221 : memref<2048xf32, #tpu.memory_space<vmem>>) dst(%dma_wait3A_219 : memref<2048xf32, #tpu.memory_space<hbm>>)
    %dma_wait3A_222 = arith.constant 4096 : i32
    %dma_wait3A_223 = tpu.memref_slice %arg8[%dma_wait3A_222] : memref<6144xf32, #tpu.memory_space<vmem>> -> memref<2048xf32, #tpu.memory_space<vmem>>
    %dma_wait3A_224 = tpu.memref_slice %arg5[%add3A_126, %mul3A_128] : memref<48x4096xf32, #tpu.memory_space<hbm>> -> memref<1x2048xf32, #tpu.memory_space<hbm>>
    %dma_wait3A_225 = tpu.memref_squeeze %dma_wait3A_224 : memref<1x2048xf32, #tpu.memory_space<hbm>> -> memref<2048xf32, #tpu.memory_space<hbm>>
    %dma_wait3A_226 = tpu.memref_slice %arg5[%add3A_126, %mul3A_128] : memref<48x4096xf32, #tpu.memory_space<hbm>> -> memref<1x2048xf32, #tpu.memory_space<hbm>>
    %dma_wait3A_227 = tpu.memref_squeeze %dma_wait3A_226 : memref<1x2048xf32, #tpu.memory_space<hbm>> -> memref<2048xf32, #tpu.memory_space<hbm>>
    %dma_wait3A_228 = arith.constant 4096 : i32
    %dma_wait3A_229 = tpu.memref_slice %arg8[%dma_wait3A_228] : memref<6144xf32, #tpu.memory_space<vmem>> -> memref<2048xf32, #tpu.memory_space<vmem>>
    tpu.wait_dma2 semaphore(%arg15 : memref<!tpu.dma_semaphore, #tpu.memory_space<semaphore_mem>>) src(%dma_wait3A_229 : memref<2048xf32, #tpu.memory_space<vmem>>) dst(%dma_wait3A_227 : memref<2048xf32, #tpu.memory_space<hbm>>)
    return
  }
}

</mosaic_0001>

<sc_bundles>
// kernel: _sc_gather.3.cloned.1.call-start
scs
__scs_entry_jumppad:
0x0: {  	(pc) =	sbr.rel $0x88, $3  }
0x1: {  	(tag) =	ssettag $0x0;
	lr =	simm.s32 $0x1  }
0x2: {  	[smem:$0x3F9E] =	sst lr;
	_ =	strace $0xD0000000  }
0x3: {  	_ = 	snop  }
0x4: {  	_ = 	snop  }
0x5: {  	_ = 	snop  }
0x6: {  	_ = 	snop  }
0x7: {  	_ = 	snop  }
__scs_overlays_trampoline_lowered:
0x8: {  	[smem:$0x3FAD] =	sst s0  }
0x9: {  	[smem:$0x3FAE] =	sst s1  }
0xa: {  	[smem:$0x3FAF] =	sst s2  }
0xb: {  	[smem:$0x3FB0] =	sst s3  }
0xc: {  	[smem:$0x3FB1] =	sst s4  }
0xd: {  	[smem:$0x3FB2] =	sst s5  }
0xe: {  	[smem:$0x3FB3] =	sst s6  }
0xf: {  	[smem:$0x3FB4] =	sst s7  }
0x10: {  	[smem:$0x3FB5] =	sst s8  }
0x11: {  	[smem:$0x3FB6] =	sst s9;
	s0 =	simm.s32 @!p0 $0x0  }
0x12: {  	s1 =	sld [smem:$0x3F9C];
	s0 =	simm.s32 @p0 $0x1  }
0x13: {  	[smem:$0x3FB7] =	sst s0;
	s0 =	simm.s32 @!p1 $0x0  }
0x14: {  	s2 =	sld [smem:$0x3F9B];
	s0 =	simm.s32 @p1 $0x1  }
0x15: {  	[smem:$0x3FB8] =	sst s0;
	s0 =	simm.s32 @!p2 $0x0  }
0x16: {  	s3 =	sld [smem:$0x3FDB];
	s0 =	simm.s32 @p2 $0x1  }
0x17: {  	s4 =	simm.s32 $0x1BF5;
	[smem:$0x3FBA] =	sst s0  }
0x18: {  	s0 =	sld [smem:$0x3F9D];
	_ =	swait.ge [sflag:s4], $0x0  }
0x19: {  	s7 =	sld [smem:$0x3F9E]  }
0x1a: {  	s8 =	sadd.s32 $0xFFFFE003, lr  }
0x1b: {  	s9 =	sadd.s32 $0xFFFFFEF7, lr;
	s5 =	simm.s32 $0xFFFFFFFF;
	p2 =	slt.u32 s8, $0xFFFFF086  }
0x1c: {  	p1 =	slt.u32 s9, $0xF7A;
	s5 =	simm.s32 @!p2 $0x0  }
0x1d: {  	s5 =	simm.s32 @p1 $0x1;
	p0 =	seq.s32 s7, s2  }
0x1e: {  	s7 =	smul.u32 @!p0 $0xF7A, s2;
	p2 =	seq.s32 @!p0 s5, $0x0  }
0x1f: {  	s9 =	smul.u32 $0xF7A, s1;
	s8 =	simm.s32 @!p0 $0x1BF5;
	p2 =	por !p2, p0  }
0x20: {  	[sflag:s8] =	ssyncset.s32 @!p0 $0xFFFFF086;
	s6 =	sadd.s32 @!p0 s3, s7;
	s7 =	simm.s32 @!p0 $0x108  }
0x21: {  	s3 =	sadd.s32 s3, s9;
	s6 =	sadd.s32 @!p0 $0x88, s6;
	s7 =	simm.s32 @p2 $0x1082  }
0x22: {  	[simem:s7], [sflag:s8] =	dma.local @!p0 [hbm:s6], $0xF7A  }
0x23: {  	s9 =	sor.u32 $0xD0000000, s2;
	s6 =	simm.s32 $0x108;
	_ =	swait.ge @!p0 [sflag:s8], $0x0  }
0x24: {  	s3 =	sadd.s32 $0x88, s3;
	s6 =	simm.s32 @!p1 $0x1082;
	[sflag:s4] =	ssyncset.s32 $0xFFFFF086  }
0x25: {  	[simem:s6], [sflag:s4] =	dma.local [hbm:s3], $0xF7A  }
0x26: {  	[smem:$0x3F9E] =	sst s1;
	(tag) =	ssettag s2;
	_ =	strace s9  }
0x27: {  	s1 =	sld [smem:$0x3FAE]  }
0x28: {  	s2 =	sld [smem:$0x3FAF]  }
0x29: {  	s4 =	sld [smem:$0x3FB1]  }
0x2a: {  	p0 =	seq.s32 s5, $0x0;
	s5 =	sld [smem:$0x3FB2]  }
0x2b: {  	s6 =	sld [smem:$0x3FB3]  }
0x2c: {  	s7 =	sld [smem:$0x3FB4]  }
0x2d: {  	s3 =	simm.s32 $0x108;
	s8 =	sld [smem:$0x3FB5]  }
0x2e: {  	s3 =	simm.s32 @!p0 $0x1082;
	s9 =	sld [smem:$0x3FB6]  }
0x2f: {  	lr =	sadd.s32 s0, s3;
	s0 =	sld [smem:$0x3FAD]  }
0x30: {  	s3 =	sld [smem:$0x3FB0]  }
0x31: {  	[smem:$0x3FB9] =	sst s10  }
0x32: {  	s10 =	sld [smem:$0x3FB7];
	_ =	sdelay $0x3  }
0x33: {  	p0 =	seq.s32 s10, $0x1;
	s10 =	sld [smem:$0x3FB9];
	_ =	sdelay $0x3  }
0x34: {  	[smem:$0x3FB9] =	sst s10  }
0x35: {  	s10 =	sld [smem:$0x3FB8];
	_ =	sdelay $0x3  }
0x36: {  	p1 =	seq.s32 s10, $0x1;
	s10 =	sld [smem:$0x3FB9];
	_ =	sdelay $0x3  }
0x37: {  	[smem:$0x3FB9] =	sst s10  }
0x38: {  	s10 =	sld [smem:$0x3FBA]  }
0x39: {  	_ = 	snop;
	(pc) =	sbr.ind lr, $3  }
0x3a: {  	_ = 	snop  }
0x3b: {  	_ = 	snop  }
0x3c: {  	p2 =	seq.s32 s10, $0x1;
	s10 =	sld [smem:$0x3FB9]  }
0x3d: {  	_ =	shalt  }
0x3e: {  	_ =	shalt  }
0x3f: {  	_ =	shalt  }
0x40: {  	_ =	shalt  }
0x41: {  	_ =	shalt  }
0x42: {  	_ =	shalt  }
0x43: {  	_ =	shalt  }
0x44: {  	_ =	shalt  }
0x45: {  	_ =	shalt  }
0x46: {  	_ =	shalt  }
0x47: {  	_ =	shalt  }
0x48: {  	_ =	shalt  }
0x49: {  	_ =	shalt  }
0x4a: {  	_ =	shalt  }
0x4b: {  	_ =	shalt  }
0x4c: {  	_ =	shalt  }
0x4d: {  	_ =	shalt  }
0x4e: {  	_ =	shalt  }
0x4f: {  	_ =	shalt  }
0x50: {  	_ =	shalt  }
0x51: {  	_ =	shalt  }
0x52: {  	_ =	shalt  }
0x53: {  	_ =	shalt  }
0x54: {  	_ =	shalt  }
0x55: {  	_ =	shalt  }
0x56: {  	_ =	shalt  }
0x57: {  	_ =	shalt  }
0x58: {  	_ =	shalt  }
0x59: {  	_ =	shalt  }
0x5a: {  	_ =	shalt  }
0x5b: {  	_ =	shalt  }
0x5c: {  	_ =	shalt  }
0x5d: {  	_ =	shalt  }
0x5e: {  	_ =	shalt  }
0x5f: {  	_ =	shalt  }
0x60: {  	_ =	shalt  }
0x61: {  	_ =	shalt  }
0x62: {  	_ =	shalt  }
0x63: {  	_ =	shalt  }
0x64: {  	_ =	shalt  }
0x65: {  	_ =	shalt  }
0x66: {  	_ =	shalt  }
0x67: {  	_ =	shalt  }
0x68: {  	_ =	shalt  }
0x69: {  	_ =	shalt  }
0x6a: {  	_ =	shalt  }
0x6b: {  	_ =	shalt  }
0x6c: {  	_ =	shalt  }
0x6d: {  	_ =	shalt  }
0x6e: {  	_ =	shalt  }
0x6f: {  	_ =	shalt  }
0x70: {  	_ =	shalt  }
0x71: {  	_ =	shalt  }
0x72: {  	_ =	shalt  }
0x73: {  	_ =	shalt  }
0x74: {  	_ =	shalt  }
0x75: {  	_ =	shalt  }
0x76: {  	_ =	shalt  }
0x77: {  	_ =	shalt  }
0x78: {  	_ =	shalt  }
0x79: {  	_ =	shalt  }
0x7a: {  	_ =	shalt  }
0x7b: {  	_ =	shalt  }
0x7c: {  	_ =	shalt  }
0x7d: {  	_ =	shalt  }
0x7e: {  	_ =	shalt  }
0x7f: {  	_ =	shalt  }
0x80: {  	_ =	shalt  }
0x81: {  	_ =	shalt  }
0x82: {  	_ =	shalt  }
0x83: {  	_ =	shalt  }
0x84: {  	_ =	shalt  }
0x85: {  	_ =	shalt  }
0x86: {  	_ =	shalt  }
0x87: {  	_ =	shalt  }
.Lfunc_end0:
.L_simem_size_0:
called_computation_lowered:
.L_overlay_start_0:
0x88: {  	s2 =	sld [smem:$0x3FD9]  }
0x89: {  	s3 =	sld [smem:$0x3FFE];
	_ =	sdelay $0x1  }
0x8a: {  	s1 =	srdreg.scid  }
0x8b: {  	s0 =	sand.u32 $0x1, s1  }
0x8c: {  	s14 =	sshll.u32 s0, $0xA;
	s2 =	sadd.s32 s3, s2  }
0x8d: {  	s2 =	sadd.s32 s2, s14  }
0x8e: {  	[smem:$0x3FC5] =	sst s2  }
0x8f: {  	_ = 	snop  }
0x90: {  	s2 =	sld [smem:$0x3FD0];
	_ =	sdelay $0x1  }
0x91: {  	s15 =	sld [smem:$0x3FC8]  }
0x92: {  	s5 =	simm.s32 $0xA;
	s6 =	simm.s32 $0x10;
	s4 =	sld [smem:$0x3FC7]  }
0x93: {  	[smem:s6], [sflag:s5] =	dma.local [hbm:s2], $0x1  }
0x94: {  	_ =	swait.eq [sflag:s5], $0x1  }
0x95: {  	[sflag:s5] =	ssyncset.done $0x0  }
0x96: {  	s16 =	sld [smem:$0x10];
	[sflag:s5] =	ssyncadd.s32 $0xFFFFFFFF  }
0x97: {  	s17 =	sld [smem:$0x11];
	(tm) =	ssettm $0x1  }
0x98: {  	s18 =	sld [smem:$0x3FFB];
	_ =	sdelay $0x3  }
0x99: {  	_ =	strace s18  }
0x9a: {  	s6 =	sld [smem:$0x3FFC];
	_ =	sdelay $0x3  }
0x9b: {  	_ =	strace s6  }
0x9c: {  	s6 =	sld [smem:$0x3FFD];
	_ =	sdelay $0x3  }
0x9d: {  	_ =	strace s6  }
0x9e: {  	_ =	strace $0x8FFFFFFF  }
0x9f: {  	s19 =	sld [smem:$0x3FDB];
	_ =	sdelay $0x1  }
0xa0: {  	s7 =	simm.s32 $_scs_section_size  }
0xa1: {  	s8 =	simm.s32 $_size__tile_overlayer_lowered;
	s9 =	simm.s32 $_tile_overlayer_lowered  }
0xa2: {  	s22 =	simm.s32 $0x1BFF;
	s21 =	sshll.u32 s9, $0x1;
	s6 =	sadd.s32 s7, s19  }
0xa3: {  	s10 =	simm.s32 $0x0;
	s20 =	sshll.u32 s8, $0x1;
	s8 =	sadd.s32 s21, s6  }
0xa4: {  	[timem:s10], [sflag:s22] =	dma.local [hbm:s8], s20  }
0xa5: {  	_ =	swait.ge [sflag:s22], s20  }
0xa6: {  	s7 =	ssub.s32 $0x0, s20;
	[sflag:s22] =	ssyncset.done $0x0  }
0xa7: {  	[sflag:s22] =	ssyncadd.s32 s7;
	_ =	sdelay $0x1  }
0xa8: {  	s23 =	simm.s32 $0x1B8B  }
0xa9: {  	_ =	swait.ge [sflag:s23], $0x1  }
0xaa: {  	[sflag:s23] =	ssyncset.done $0x0  }
0xab: {  	s25 =	simm.s32 $0x1B8E;
	s24 =	sld [smem:$0x3FFE];
	[sflag:s23] =	ssyncadd.s32 $0xFFFFFFFF  }
0xac: {  	s26 =	simm.s32 $execute0_lowered;
	[smem:$0x3FD2] =	sst s25  }
0xad: {  	s8 =	sshll.u32 s26, $0x1;
	_ =	strace $0x80000046;
	[dreg:$0x1] =	wrdreg $0xFFFFFFFF  }
0xae: {  	s28 =	simm.s32 $_size_execute0_lowered;
	s6 =	sadd.s32 s6, s8;
	[dreg:$0x0] =	wrdreg $0x0  }
0xaf: {  	s8 =	sshll.u32 s28, $0x1;
	[dreg:$0x2] =	wrdreg s6  }
0xb0: {  	[dreg:$0x3] =	wrdreg s8  }
0xb1: {  	[dreg:$0x4] =	wrdreg $0xC0  }
0xb2: {  	_ =	task [dreg:s10], $0x5FFFF  }
0xb3: {  	[dreg:$0x1] =	wrdreg $0xFFFFFFFF  }
0xb4: {  	[dreg:$0x0] =	wrdreg $0x60  }
0xb5: {  	[dreg:$0x2] =	wrdreg s24  }
0xb6: {  	[dreg:$0x3] =	wrdreg s15  }
0xb7: {  	[dreg:$0x4] =	wrdreg s4  }
0xb8: {  	[dreg:$0x5] =	wrdreg s16  }
0xb9: {  	[dreg:$0x6] =	wrdreg s17  }
0xba: {  	[dreg:$0x7] =	wrdreg $0x9  }
0xbb: {  	_ =	task.clear_ibuf [dreg:s10], $0x8FFFF;
	_ =	strace $0x90000046  }
0xbc: {  	s29 =	simm.s32 $0x9;
	_ =	strace $0x80000048  }
0xbd: {  	_ =	swait.ge [sflag:s29], $0x1  }
0xbe: {  	[sflag:s29] =	ssyncadd.s32 $0xFFFFFFFF  }
0xbf: {  	_ =	strace $0x90000048  }
0xc0: {  	_ =	sfence  }
0xc1: {  	s30 =	sld [smem:$0x0];
	_ =	sdelay $0x2  }
0xc2: {  	s31 =	sshll.u32 s1, $0xD;
	s1 =	sshrl.u32 s1, $0x2  }
0xc3: {  	s3 =	sand.u32 $0x4000, s31;
	s1 =	sadd.s32 s1, s30  }
0xc4: {  	s0 =	sor.u32 s3, s0;
	s1 =	sshll.u32 s1, $0x11  }
0xc5: {  	s0 =	sor.u32 s1, s0  }
0xc6: {  	s0 =	sadd.s32 $0x8F2B, s0  }
0xc7: {  	[sflag:s0] =	ssyncadd.remote.s32 $0x1  }
0xc8: {  	_ =	sfence.sel $0xFFFF  }
0xc9: {  	[dreg:$0x0] =	wrdreg $0xFFFFFFFF;
	(pc) =	sbr.abs _section_cstart, $3  }
0xca: {  	[dreg:$0x1] =	wrdreg $0xFFFFFFFF  }
0xcb: {  	_ =	task.clear_ibuf [dreg:s10], $0x2FFFF;
	_ =	strace $0x9FFFFFFF  }
0xcc: {  	(tm) =	ssettm $0x7FFFFFFF  }
0xcd: {  	_ =	shalt  }
tec
execute0_lowered:
.L_overlay_start_1:
0x0: {  	(tag) =	ssettag $0x1  }
0x1: {  	s2 =	rddreg [dreg:$0x0]  }
0x2: {  	s0 =	rddreg [dreg:$0x1]  }
0x3: {  	s4 =	rddreg [dreg:$0x2]  }
0x4: {  	s1 =	rddreg [dreg:$0x3]  }
0x5: {  	s5 =	srdreg.scid;
	s3 =	rddreg [dreg:$0x4]  }
0x6: {  	s9 =	stileid.u32;
	s6 =	simm.s32 $0x0;
	s7 =	sand.u32 $0x1, s5  }
0x7: {  	s28 =	simm.s32 $0xA800;
	s29 =	simm.s32 $0xE800;
	s5 =	sor.u32 s7, s9  }
0x8: {  	s30 =	simm.s32 $0x3;
	p1 =	seq.s32 s7, $0x1;
	p0 =	seq.s32 s5, $0x0  }
0x9: {  	s31 =	simm.s32 $0x13800;
	[smem:$0x7FF] =	sst s6;
	p0 =	por !p0, !p1  }
0xa: {  	s6 =	simm.s32 $0x1;
	s2 =	sadd.s32 $0x800, s2;
	p0 =	por !p0, !p0  }
0xb: {  	_ =	strace $0x80000047;
	s18 =	ssub.s32 $0x2, s7;
	s6 =	simm.s32 @!p0 $0x0  }
0xc: {  	s23 =	sshll.u32 s7, $0x15;
	s8 =	sshrl.u32 s18, $0x1;
	s10 =	ssub.s32 s9, s6  }
0xd: {  	s5 =	simm.s32 $0x1;
	s8 =	ssub.s32 s18, s8;
	s11 =	smul.u32 $0x3, s10  }
0xe: {  	s6 =	sshll.u32 s10, $0xC;
	s9 =	sshll.u32 s10, $0x7;
	s13 =	smul.u32 $0x180, s10  }
0xf: {  	s12 =	sand.u32 $0xFFFF8000, s6;
	s9 =	sand.u32 $0x380, s9;
	s6 =	sshll.u32 s7, $0x7  }
0x10: {  	s9 =	sor.u32 s9, s12;
	s12 =	sshrl.u32 s11, $0x3;
	s13 =	sand.u32 $0x380, s13  }
0x11: {  	s20 =	sadd.s32 $0x1, s11;
	s11 =	sadd.s32 $0x2, s11;
	s9 =	sshrl.u32 s9, $0x3  }
0x12: {  	s14 =	sshll.u32 s12, $0x11;
	s15 =	sshrl.u32 s20, $0x3;
	s17 =	sshrl.u32 s11, $0x3  }
0x13: {  	s11 =	sshll.u32 s11, $0x7;
	s4 =	sadd.s32 s4, s9;
	s19 =	sor.u32 s13, s14  }
0x14: {  	s9 =	sshll.u32 s20, $0x7;
	s21 =	sshll.u32 s15, $0x11;
	s18 =	sand.u32 $0x380, s11  }
0x15: {  	s24 =	sshll.u32 s17, $0x11;
	s20 =	sshll.u32 s12, $0xF;
	s12 =	simm.s32 $0x0  }
0x16: {  	[dreg:$0x6] =	wrdreg s4;
	s4 =	sshrl.u32 s19, $0x3;
	s16 =	sand.u32 $0x380, s9  }
0x17: {  	s9 =	sshll.u32 s10, $0x16;
	s11 =	sor.u32 s18, s24;
	s19 =	sshll.u32 s7, $0xE  }
0x18: {  	s4 =	sadd.s32 s2, s4;
	s22 =	sor.u32 s16, s21;
	s14 =	sor.u32 s23, s9  }
0x19: {  	s25 =	sshrl.u32 s11, $0x3;
	[dreg:$0x7] =	wrdreg s4;
	s4 =	sshrl.u32 s22, $0x3  }
0x1a: {  	s21 =	sshll.u32 s15, $0xF;
	s14 =	sshrl.u32 s14, $0x3;
	s4 =	sadd.s32 s2, s4  }
0x1b: {  	s26 =	sadd.s32 s0, s14;
	s2 =	sadd.s32 s2, s25;
	[dreg:$0x8] =	wrdreg s4  }
0x1c: {  	s22 =	sshll.u32 s17, $0xF;
	[dreg:$0xa] =	wrdreg s2;
	s14 =	sadd.s32 $0x30, s26  }
0x1d: {  	s4 =	sor.u32 s19, s20;
	s2 =	sor.u32 s19, s22;
	s24 =	sadd.s32 $0x10, s26  }
0x1e: {  	[dreg:$0x9] =	wrdreg s26;
	s25 =	sadd.s32 $0x20, s26;
	s20 =	sshll.u32 s10, $0x14  }
0x1f: {  	s26 =	smax.u32 s8, $0x1;
	s22 =	simm.s32 $0x80;
	[dreg:$0xb] =	wrdreg s14  }
0x20: {  	s8 =	simm.s32 $0x5;
	s10 =	simm.s32 $0x7;
	[dreg:$0xf] =	wrdreg s24  }
0x21: {  	s14 =	sshll.u32 s7, $0xB;
	s7 =	sor.u32 s19, s21;
	[dreg:$0x10] =	wrdreg s25  }
0x22: {  	s4 =	sor.u32 s13, s4;
	s2 =	sor.u32 s18, s2;
	[dreg:$0x11] =	wrdreg s26  }
0x23: {  	s24 =	simm.s32 $0x8;
	s25 =	simm.s32 $0x2800;
	s4 =	sshrl.u32 s4, $0x3  }
0x24: {  	s26 =	simm.s32 $0x6800;
	s7 =	sor.u32 s16, s7;
	s4 =	sadd.s32 s1, s4  }
0x25: {  	s2 =	sshrl.u32 s2, $0x3;
	s7 =	sshrl.u32 s7, $0x3;
	[dreg:$0xc] =	wrdreg s4  }
0x26: {  	s23 =	sadd.s32 s1, s7;
	s1 =	sadd.s32 s1, s2;
	s2 =	simm.s32 $0x2  }
0x27: {  	s4 =	simm.s32 $0x12800;
	s7 =	simm.s32 $0x6;
	[dreg:$0xd] =	wrdreg s23  }
0x28: {  	[dreg:$0xe] =	wrdreg s1;
	s23 =	simm.s32 $0x400;
	s1 =	simm.s32 $0x4  }
.LBB2_1:
0x29: {  	s11 =	simm.s32 $0x0;
	s13 =	rddreg [dreg:$0x6]  }
0x2a: {  	[tilespmem:s11], [sflag:$0x8] =	stream.strided.gather [hbm4b:s13+s22], $0x1000, s23, s22, $0x38;
	[tilespmem:$0x14800] =	vst v63  }
0x2b: {  	_ =	swait.ge [sflag:s24], $0x1000  }
0x2c: {  	[sflag:s24] =	ssyncset.done $0x0  }
0x2d: {  	s17 =	rddreg [dreg:$0x7];
	[sflag:s24] =	ssyncadd.s32 $0xFFFFF000  }
0x2e: {  	[tilespmem:s25], [sflag:$0x1] =	stream.strided.gather [hbm4b:s17+s22], $0x4000, s23, s22, $0x38;
	[tilespmem:$0x14800] =	vst v63  }
0x2f: {  	s18 =	rddreg [dreg:$0x8]  }
0x30: {  	[tilespmem:s26], [sflag:$0x1] =	stream.strided.gather [hbm4b:s18+s22], $0x4000, s23, s22, $0x38;
	[tilespmem:$0x14800] =	vst v63  }
0x31: {  	s19 =	rddreg [dreg:$0xa]  }
0x32: {  	[tilespmem:s28], [sflag:$0x1] =	stream.strided.gather [hbm4b:s19+s22], $0x4000, s23, s22, $0x38;
	[tilespmem:$0x14800] =	vst v63  }
0x33: {  	s21 =	rddreg [dreg:$0xb]  }
0x34: {  	[tilespmem:s29], [sflag:$0x5] =	stream.strided.gather [hbm4b:s21+s22], $0x4000, s23, s22, $0x38;
	[tilespmem:$0x14800] =	vst v63  }
0x35: {  	_ =	swait.ge [sflag:s5], $0x4000  }
0x36: {  	[sflag:s5] =	ssyncset.done $0x0  }
0x37: {  	[sflag:s5] =	ssyncadd.s32 $0xFFFFC000  }
0x38: {  	_ =	swait.ge [sflag:s5], $0x4000  }
0x39: {  	[sflag:s5] =	ssyncset.done $0x0  }
0x3a: {  	[sflag:s5] =	ssyncadd.s32 $0xFFFFC000  }
0x3b: {  	_ =	swait.ge [sflag:s5], $0x4000  }
0x3c: {  	[sflag:s5] =	ssyncset.done $0x0  }
0x3d: {  	s15 =	simm.s32 $0x0;
	s13 =	simm.s32 $0x1820;
	[sflag:s5] =	ssyncadd.s32 $0xFFFFC000  }
.LBB2_2:
0x3e: {  	s16 =	sand.u32 $0x780, s15  }
0x3f: {  	s17 =	sand.u32 $0x40, s15;
	s18 =	sadd.s32 s16, s14  }
0x40: {  	s19 =	sadd.s32 s17, s18  }
0x41: {  	v0 =	vld [tilespmem:s19+$0x0];
	_ =	sdelay $0x7  }
0x42: {  	v1 =	vld.idx.msk [tilespmem:v0+s25+$0x0], $0xffff;
	_ =	sdelay $0x4  }
0x43: {  	[tilespmem:s13+$0xFFFFF7E0] =	vst v1  }
0x44: {  	v1 =	vld.idx.msk [tilespmem:v0+s26+$0x0], $0xffff;
	_ =	sdelay $0x3  }
0x45: {  	s16 =	sor.u32 s17, s16  }
0x46: {  	[tilespmem:s16+$0x1800] =	vst v1  }
0x47: {  	v0 =	vld.idx.msk [tilespmem:v0+s28+$0x0], $0xffff;
	_ =	sdelay $0x2  }
0x48: {  	s11 =	sadd.s32 $0x10, s15  }
0x49: {  	s17 =	sand.u32 $0x50, s11  }
0x4a: {  	s17 =	sadd.s32 s17, s18;
	[tilespmem:s16+$0x2000] =	vst v0  }
0x4b: {  	v0 =	vld [tilespmem:s17+$0x0];
	_ =	sdelay $0x7  }
0x4c: {  	v1 =	vld.idx.msk [tilespmem:v0+s25+$0x0], $0xffff;
	_ =	sdelay $0x4  }
0x4d: {  	[tilespmem:s13+$0xFFFFF7F0] =	vst v1  }
0x4e: {  	v1 =	vld.idx.msk [tilespmem:v0+s26+$0x0], $0xffff;
	_ =	sdelay $0x4  }
0x4f: {  	[tilespmem:s13+$0xFFFFFFF0] =	vst v1  }
0x50: {  	v0 =	vld.idx.msk [tilespmem:v0+s28+$0x0], $0xffff;
	_ =	sdelay $0x2  }
0x51: {  	s19 =	sadd.s32 $0x20, s15  }
0x52: {  	s16 =	sand.u32 $0x60, s19  }
0x53: {  	s16 =	sadd.s32 s16, s18;
	[tilespmem:s13+$0x7F0] =	vst v0  }
0x54: {  	v0 =	vld [tilespmem:s16+$0x0];
	_ =	sdelay $0x7  }
0x55: {  	v1 =	vld.idx.msk [tilespmem:v0+s25+$0x0], $0xffff;
	_ =	sdelay $0x4  }
0x56: {  	[tilespmem:s13+$0xFFFFF800] =	vst v1  }
0x57: {  	v1 =	vld.idx.msk [tilespmem:v0+s26+$0x0], $0xffff;
	_ =	sdelay $0x4  }
0x58: {  	[tilespmem:s13+$0x0] =	vst v1  }
0x59: {  	v0 =	vld.idx.msk [tilespmem:v0+s28+$0x0], $0xffff;
	_ =	sdelay $0x2  }
0x5a: {  	s21 =	sadd.s32 $0x30, s15  }
0x5b: {  	s16 =	sand.u32 $0x70, s21  }
0x5c: {  	s16 =	sadd.s32 s16, s18;
	[tilespmem:s13+$0x800] =	vst v0  }
0x5d: {  	v0 =	vld [tilespmem:s16+$0x0];
	_ =	sdelay $0x7  }
0x5e: {  	v1 =	vld.idx.msk [tilespmem:v0+s25+$0x0], $0xffff;
	_ =	sdelay $0x4  }
0x5f: {  	[tilespmem:s13+$0xFFFFF810] =	vst v1  }
0x60: {  	v1 =	vld.idx.msk [tilespmem:v0+s26+$0x0], $0xffff;
	_ =	sdelay $0x4  }
0x61: {  	[tilespmem:s13+$0x10] =	vst v1  }
0x62: {  	p0 =	sne.s32 s15, $0x7C0;
	v0 =	vld.idx.msk [tilespmem:v0+s28+$0x0], $0xffff  }
.Ltmp0:
0x63: {  	_ = 	snop;
	(pc) =	sbr.rel @p0 .LBB2_2-.Ltmp0, $2  }
0x64: {  	_ =	sdelay $0x2  }
0x65: {  	s15 =	sadd.s32 $0x40, s15;
	[tilespmem:s13+$0x810] =	vst v0;
	s13 =	sadd.s32 $0x40, s13  }
0x66: {  	s11 =	rddreg [dreg:$0xc];
	s13 =	simm.s32 $0x1000  }
0x67: {  	[hbm4b:s11+s22] =	stream.strided.scatter [tilespmem:s13], [sflag:$0x1], $0x800, s23, s22, $0x38;
	[tilespmem:$0x14800] =	vst v63  }
0x68: {  	s15 =	simm.s32 $0x1800;
	s13 =	rddreg [dreg:$0xd]  }
0x69: {  	[hbm4b:s13+s22] =	stream.strided.scatter [tilespmem:s15], [sflag:$0x1], $0x800, s23, s22, $0x38;
	[tilespmem:$0x14800] =	vst v63  }
0x6a: {  	s16 =	rddreg [dreg:$0xe];
	s17 =	simm.s32 $0x2000  }
0x6b: {  	[hbm4b:s16+s22] =	stream.strided.scatter [tilespmem:s17], [sflag:$0x1], $0x800, s23, s22, $0x38;
	[tilespmem:$0x14800] =	vst v63  }
0x6c: {  	s18 =	rddreg [dreg:$0x9]  }
0x6d: {  	[tilespmem:s25], [sflag:$0x2] =	stream.strided.gather [hbm4b:s18+s22], $0x4000, s23, s22, $0x38;
	[tilespmem:$0x14800] =	vst v63  }
0x6e: {  	s19 =	rddreg [dreg:$0xf]  }
0x6f: {  	[tilespmem:s26], [sflag:$0x3] =	stream.strided.gather [hbm4b:s19+s22], $0x4000, s23, s22, $0x38;
	[tilespmem:$0x14800] =	vst v63  }
0x70: {  	s21 =	rddreg [dreg:$0x10];
	s13 =	simm.s32 $0x0  }
0x71: {  	[tilespmem:s28], [sflag:$0x4] =	stream.strided.gather [hbm4b:s21+s22], $0x4000, s23, s22, $0x38;
	[tilespmem:$0x14800] =	vst v63  }
.LBB2_4:
0x72: {  	_ =	swait.ge [sflag:s2], $0x4000  }
0x73: {  	p1 =	seq.s32 s13, $0x0;
	[sflag:s2] =	ssyncset.done $0x0  }
0x74: {  	s15 =	simm.s32 @!p1 $0x6;
	[sflag:s2] =	ssyncadd.s32 $0xFFFFC000  }
0x75: {  	_ =	swait.ge @!p1 [sflag:s15], $0x1000  }
0x76: {  	[sflag:s15] =	ssyncset.done @!p1 $0x0  }
0x77: {  	s18 =	simm.s32 $0x0;
	[sflag:s15] =	ssyncadd.s32 @!p1 $0xFFFFF000  }
0x78: {  	v0 =	vld [tilespmem:s18+$0x0];
	_ =	sdelay $0x5  }
0x79: {  	v1 =	vld [tilespmem:s18+$0x10];
	_ =	sdelay $0x1  }
0x7a: {  	v0 =	vld.idx.msk [tilespmem:v0+s25+$0x0], $0xffff;
	_ =	sdelay $0x4  }
0x7b: {  	[tilespmem:s18+$0x12800] =	vst v0;
	v0 =	vld [tilespmem:s18+$0x20]  }
0x7c: {  	v1 =	vld.idx.msk [tilespmem:v1+s25+$0x0], $0xffff;
	_ =	sdelay $0x4  }
0x7d: {  	[tilespmem:s18+$0x12810] =	vst v1;
	v1 =	vld [tilespmem:s18+$0x30];
	_ =	sdelay $0x1  }
0x7e: {  	v0 =	vld.idx.msk [tilespmem:v0+s25+$0x0], $0xffff;
	_ =	sdelay $0x4  }
0x7f: {  	[tilespmem:s18+$0x12820] =	vst v0;
	v0 =	vld [tilespmem:s18+$0x40]  }
0x80: {  	v1 =	vld.idx.msk [tilespmem:v1+s25+$0x0], $0xffff;
	_ =	sdelay $0x4  }
0x81: {  	[tilespmem:s18+$0x12830] =	vst v1;
	v1 =	vld [tilespmem:s18+$0x50];
	_ =	sdelay $0x1  }
0x82: {  	v0 =	vld.idx.msk [tilespmem:v0+s25+$0x0], $0xffff;
	_ =	sdelay $0x4  }
0x83: {  	[tilespmem:s18+$0x12840] =	vst v0;
	v0 =	vld [tilespmem:s18+$0x60]  }
0x84: {  	v1 =	vld.idx.msk [tilespmem:v1+s25+$0x0], $0xffff;
	_ =	sdelay $0x4  }
0x85: {  	[tilespmem:s18+$0x12850] =	vst v1;
	v1 =	vld [tilespmem:s18+$0x70];
	_ =	sdelay $0x1  }
0x86: {  	v0 =	vld.idx.msk [tilespmem:v0+s25+$0x0], $0xffff;
	_ =	sdelay $0x4  }
0x87: {  	[tilespmem:s18+$0x12860] =	vst v0;
	v0 =	vld [tilespmem:s18+$0x80]  }
0x88: {  	v1 =	vld.idx.msk [tilespmem:v1+s25+$0x0], $0xffff;
	_ =	sdelay $0x4  }
0x89: {  	[tilespmem:s18+$0x12870] =	vst v1;
	v1 =	vld [tilespmem:s18+$0x90];
	_ =	sdelay $0x1  }
0x8a: {  	v0 =	vld.idx.msk [tilespmem:v0+s25+$0x0], $0xffff;
	_ =	sdelay $0x4  }
0x8b: {  	[tilespmem:s18+$0x12880] =	vst v0;
	v0 =	vld [tilespmem:s18+$0xA0]  }
0x8c: {  	v1 =	vld.idx.msk [tilespmem:v1+s25+$0x0], $0xffff;
	_ =	sdelay $0x4  }
0x8d: {  	[tilespmem:s18+$0x12890] =	vst v1;
	v1 =	vld [tilespmem:s18+$0xB0];
	_ =	sdelay $0x1  }
0x8e: {  	v0 =	vld.idx.msk [tilespmem:v0+s25+$0x0], $0xffff;
	_ =	sdelay $0x4  }
0x8f: {  	[tilespmem:s18+$0x128A0] =	vst v0;
	v0 =	vld [tilespmem:s18+$0xC0]  }
0x90: {  	v1 =	vld.idx.msk [tilespmem:v1+s25+$0x0], $0xffff;
	_ =	sdelay $0x4  }
0x91: {  	[tilespmem:s18+$0x128B0] =	vst v1;
	v1 =	vld [tilespmem:s18+$0xD0];
	_ =	sdelay $0x1  }
0x92: {  	v0 =	vld.idx.msk [tilespmem:v0+s25+$0x0], $0xffff;
	_ =	sdelay $0x4  }
0x93: {  	v2 =	vld [tilespmem:s18+$0xE0];
	[tilespmem:s18+$0x128C0] =	vst v0  }
0x94: {  	v0 =	vld.idx.msk [tilespmem:v1+s25+$0x0], $0xffff;
	_ =	sdelay $0x4  }
0x95: {  	[tilespmem:s18+$0x128D0] =	vst v0;
	v0 =	vld [tilespmem:s18+$0xF0];
	_ =	sdelay $0x1  }
0x96: {  	v1 =	vld.idx.msk [tilespmem:v2+s25+$0x0], $0xffff;
	_ =	sdelay $0x2  }
0x97: {  	s17 =	sshll.u32 s13, $0x9;
	s21 =	simm.s32 $0x100;
	s15 =	sshll.u32 s13, $0x2  }
0x98: {  	s19 =	simm.s32 $0x800;
	s17 =	sand.u32 $0x200, s17;
	s16 =	sor.u32 s6, s15  }
.LBB2_5:
0x99: {  	p0 =	sne.s32 s19, $0x3C00;
	v2 =	vld [tilespmem:s21+$0x0];
	[tilespmem:s18+$0x128E0] =	vst v1  }
0x9a: {  	v0 =	vld.idx.msk [tilespmem:v0+s25+$0x0], $0xffff;
	_ =	sdelay $0x5  }
0x9b: {  	v1 =	vld [tilespmem:s21+$0x10];
	[tilespmem:s18+$0x128F0] =	vst v0;
	s18 =	smov.u32 s21  }
0x9c: {  	v0 =	vld.idx.msk [tilespmem:v2+s25+$0x0], $0xffff;
	_ =	sdelay $0x5  }
0x9d: {  	[tilespmem:s18+$0x12800] =	vst v0;
	v0 =	vld [tilespmem:s18+$0x20]  }
0x9e: {  	v1 =	vld.idx.msk [tilespmem:v1+s25+$0x0], $0xffff;
	_ =	sdelay $0x5  }
0x9f: {  	[tilespmem:s18+$0x12810] =	vst v1;
	v1 =	vld [tilespmem:s18+$0x30]  }
0xa0: {  	v0 =	vld.idx.msk [tilespmem:v0+s25+$0x0], $0xffff;
	_ =	sdelay $0x5  }
0xa1: {  	[tilespmem:s18+$0x12820] =	vst v0;
	v0 =	vld [tilespmem:s18+$0x40]  }
0xa2: {  	v1 =	vld.idx.msk [tilespmem:v1+s25+$0x0], $0xffff;
	_ =	sdelay $0x5  }
0xa3: {  	[tilespmem:s18+$0x12830] =	vst v1;
	v1 =	vld [tilespmem:s18+$0x50]  }
0xa4: {  	v0 =	vld.idx.msk [tilespmem:v0+s25+$0x0], $0xffff;
	_ =	sdelay $0x5  }
0xa5: {  	[tilespmem:s18+$0x12840] =	vst v0;
	v0 =	vld [tilespmem:s18+$0x60]  }
0xa6: {  	v1 =	vld.idx.msk [tilespmem:v1+s25+$0x0], $0xffff;
	_ =	sdelay $0x5  }
0xa7: {  	[tilespmem:s18+$0x12850] =	vst v1;
	v1 =	vld [tilespmem:s18+$0x70]  }
0xa8: {  	v0 =	vld.idx.msk [tilespmem:v0+s25+$0x0], $0xffff;
	_ =	sdelay $0x5  }
0xa9: {  	[tilespmem:s18+$0x12860] =	vst v0;
	v0 =	vld [tilespmem:s18+$0x80]  }
0xaa: {  	v1 =	vld.idx.msk [tilespmem:v1+s25+$0x0], $0xffff;
	_ =	sdelay $0x5  }
0xab: {  	[tilespmem:s18+$0x12870] =	vst v1;
	v1 =	vld [tilespmem:s18+$0x90]  }
0xac: {  	v0 =	vld.idx.msk [tilespmem:v0+s25+$0x0], $0xffff;
	_ =	sdelay $0x5  }
0xad: {  	[tilespmem:s18+$0x12880] =	vst v0;
	v0 =	vld [tilespmem:s18+$0xA0]  }
0xae: {  	v1 =	vld.idx.msk [tilespmem:v1+s25+$0x0], $0xffff;
	_ =	sdelay $0x5  }
0xaf: {  	[tilespmem:s18+$0x12890] =	vst v1;
	v1 =	vld [tilespmem:s18+$0xB0]  }
0xb0: {  	v0 =	vld.idx.msk [tilespmem:v0+s25+$0x0], $0xffff;
	_ =	sdelay $0x5  }
0xb1: {  	[tilespmem:s18+$0x128A0] =	vst v0;
	v0 =	vld [tilespmem:s18+$0xC0]  }
0xb2: {  	v1 =	vld.idx.msk [tilespmem:v1+s25+$0x0], $0xffff;
	_ =	sdelay $0x5  }
0xb3: {  	[tilespmem:s18+$0x128B0] =	vst v1;
	v1 =	vld [tilespmem:s18+$0xD0]  }
0xb4: {  	v0 =	vld.idx.msk [tilespmem:v0+s25+$0x0], $0xffff;
	_ =	sdelay $0x5  }
0xb5: {  	[tilespmem:s18+$0x128C0] =	vst v0;
	v2 =	vld [tilespmem:s18+$0xE0]  }
0xb6: {  	v0 =	vld.idx.msk [tilespmem:v1+s25+$0x0], $0xffff;
	_ =	sdelay $0x5  }
0xb7: {  	[tilespmem:s18+$0x128D0] =	vst v0;
	v0 =	vld [tilespmem:s18+$0xF0]  }
0xb8: {  	v1 =	vld.idx.msk [tilespmem:v2+s25+$0x0], $0xffff  }
.Ltmp1:
0xb9: {  	(pc) =	sbr.rel @p0 .LBB2_5-.Ltmp1, $2  }
0xba: {  	_ =	sdelay $0x2  }
0xbb: {  	s21 =	sshra.s32 s19, $0x2;
	s19 =	sadd.s32 $0x400, s19  }
0xbc: {  	_ =	sdelay $0x1  }
0xbd: {  	v2 =	vld [tilespmem:s21+$0x0]  }
0xbe: {  	[tilespmem:s18+$0x128E0] =	vst v1  }
0xbf: {  	v0 =	vld.idx.msk [tilespmem:v0+s25+$0x0], $0xffff;
	_ =	sdelay $0x3  }
0xc0: {  	v1 =	vld [tilespmem:s21+$0x10]  }
0xc1: {  	[tilespmem:s18+$0x128F0] =	vst v0  }
0xc2: {  	v0 =	vld.idx.msk [tilespmem:v2+s25+$0x0], $0xffff;
	_ =	sdelay $0x4  }
0xc3: {  	[tilespmem:s21+$0x12800] =	vst v0;
	v0 =	vld [tilespmem:s21+$0x20]  }
0xc4: {  	v1 =	vld.idx.msk [tilespmem:v1+s25+$0x0], $0xffff;
	_ =	sdelay $0x4  }
0xc5: {  	[tilespmem:s21+$0x12810] =	vst v1;
	v1 =	vld [tilespmem:s21+$0x30];
	_ =	sdelay $0x1  }
0xc6: {  	v0 =	vld.idx.msk [tilespmem:v0+s25+$0x0], $0xffff;
	_ =	sdelay $0x4  }
0xc7: {  	[tilespmem:s21+$0x12820] =	vst v0;
	v0 =	vld [tilespmem:s21+$0x40]  }
0xc8: {  	v1 =	vld.idx.msk [tilespmem:v1+s25+$0x0], $0xffff;
	_ =	sdelay $0x4  }
0xc9: {  	[tilespmem:s21+$0x12830] =	vst v1;
	v1 =	vld [tilespmem:s21+$0x50];
	_ =	sdelay $0x1  }
0xca: {  	v0 =	vld.idx.msk [tilespmem:v0+s25+$0x0], $0xffff;
	_ =	sdelay $0x4  }
0xcb: {  	[tilespmem:s21+$0x12840] =	vst v0;
	v0 =	vld [tilespmem:s21+$0x60]  }
0xcc: {  	v1 =	vld.idx.msk [tilespmem:v1+s25+$0x0], $0xffff;
	_ =	sdelay $0x4  }
0xcd: {  	[tilespmem:s21+$0x12850] =	vst v1;
	v1 =	vld [tilespmem:s21+$0x70];
	_ =	sdelay $0x1  }
0xce: {  	v0 =	vld.idx.msk [tilespmem:v0+s25+$0x0], $0xffff;
	_ =	sdelay $0x4  }
0xcf: {  	[tilespmem:s21+$0x12860] =	vst v0;
	v0 =	vld [tilespmem:s21+$0x80]  }
0xd0: {  	v1 =	vld.idx.msk [tilespmem:v1+s25+$0x0], $0xffff;
	_ =	sdelay $0x4  }
0xd1: {  	[tilespmem:s21+$0x12870] =	vst v1;
	v1 =	vld [tilespmem:s21+$0x90];
	_ =	sdelay $0x1  }
0xd2: {  	v0 =	vld.idx.msk [tilespmem:v0+s25+$0x0], $0xffff;
	_ =	sdelay $0x4  }
0xd3: {  	[tilespmem:s21+$0x12880] =	vst v0;
	v0 =	vld [tilespmem:s21+$0xA0]  }
0xd4: {  	v1 =	vld.idx.msk [tilespmem:v1+s25+$0x0], $0xffff;
	_ =	sdelay $0x4  }
0xd5: {  	[tilespmem:s21+$0x12890] =	vst v1;
	v1 =	vld [tilespmem:s21+$0xB0];
	_ =	sdelay $0x1  }
0xd6: {  	v0 =	vld.idx.msk [tilespmem:v0+s25+$0x0], $0xffff;
	_ =	sdelay $0x4  }
0xd7: {  	[tilespmem:s21+$0x128A0] =	vst v0;
	v0 =	vld [tilespmem:s21+$0xC0]  }
0xd8: {  	v1 =	vld.idx.msk [tilespmem:v1+s25+$0x0], $0xffff;
	_ =	sdelay $0x4  }
0xd9: {  	[tilespmem:s21+$0x128B0] =	vst v1;
	v1 =	vld [tilespmem:s21+$0xD0];
	_ =	sdelay $0x1  }
0xda: {  	v0 =	vld.idx.msk [tilespmem:v0+s25+$0x0], $0xffff;
	_ =	sdelay $0x4  }
0xdb: {  	[tilespmem:s21+$0x128C0] =	vst v0;
	v0 =	vld [tilespmem:s21+$0xE0]  }
0xdc: {  	v1 =	vld.idx.msk [tilespmem:v1+s25+$0x0], $0xffff;
	_ =	sdelay $0x4  }
0xdd: {  	[tilespmem:s21+$0x128D0] =	vst v1;
	v1 =	vld [tilespmem:s21+$0xF0];
	_ =	sdelay $0x1  }
0xde: {  	v0 =	vld.idx.msk [tilespmem:v0+s25+$0x0], $0xffff;
	_ =	sdelay $0x3  }
0xdf: {  	p0 =	seq.s32 s13, $0x1F  }
0xe0: {  	s18 =	sadd.s32 @!p0 $0x4, s16;
	[tilespmem:s21+$0x128E0] =	vst v0  }
0xe1: {  	s19 =	sshll.u32 @!p0 s18, $0xE;
	v0 =	vld.idx.msk [tilespmem:v1+s25+$0x0], $0xffff  }
0xe2: {  	s18 =	sshll.u32 @!p0 s18, $0x7;
	s19 =	sand.u32 @!p0 $0x7E0000, s19  }
0xe3: {  	s18 =	sand.u32 @!p0 $0x200, s18;
	s19 =	sadd.s32 @!p0 s9, s19  }
0xe4: {  	s18 =	sor.u32 @!p0 s18, s19  }
0xe5: {  	s11 =	simm.s32 @!p0 $0x2800;
	s18 =	sshrl.u32 @!p0 s18, $0x3  }
0xe6: {  	s19 =	simm.s32 @!p0 $0x80;
	s18 =	sadd.s32 @!p0 s0, s18;
	[tilespmem:s21+$0x128F0] =	vst v0;
	s21 =	simm.s32 @!p0 $0x400  }
0xe7: {  	[tilespmem:s11], [sflag:$0x2] =	stream.strided.gather @!p0 [hbm4b:s18+s19], $0x4000, s21, s19, $0x38;
	[tilespmem:$0x14800] =	vst v63  }
0xe8: {  	s19 =	sshll.u32 s16, $0xC  }
0xe9: {  	s11 =	sand.u32 $0xF8000, s19  }
0xea: {  	s11 =	sor.u32 s11, s17  }
0xeb: {  	s11 =	sor.u32 s20, s11  }
0xec: {  	s11 =	sshrl.u32 s11, $0x3  }
0xed: {  	s11 =	sadd.s32 s3, s11  }
0xee: {  	[hbm4b:s11+s22] =	stream.strided.scatter [tilespmem:s4], [sflag:$0x6], $0x1000, s23, s22, $0x38;
	[tilespmem:$0x14800] =	vst v63  }
0xef: {  	_ =	swait.ge [sflag:s30], $0x4000  }
0xf0: {  	[sflag:s30] =	ssyncset.done $0x0  }
0xf1: {  	s11 =	simm.s32 @!p1 $0x7;
	[sflag:s30] =	ssyncadd.s32 $0xFFFFC000  }
0xf2: {  	_ =	swait.ge @!p1 [sflag:s11], $0x1000  }
0xf3: {  	[sflag:s11] =	ssyncset.done @!p1 $0x0  }
0xf4: {  	s18 =	simm.s32 $0x0;
	[sflag:s11] =	ssyncadd.s32 @!p1 $0xFFFFF000  }
0xf5: {  	v0 =	vld [tilespmem:s18+$0x0];
	_ =	sdelay $0x5  }
0xf6: {  	v1 =	vld [tilespmem:s18+$0x10];
	_ =	sdelay $0x1  }
0xf7: {  	v0 =	vld.idx.msk [tilespmem:v0+s26+$0x0], $0xffff;
	_ =	sdelay $0x4  }
0xf8: {  	[tilespmem:s18+$0x13800] =	vst v0;
	v0 =	vld [tilespmem:s18+$0x20]  }
0xf9: {  	v1 =	vld.idx.msk [tilespmem:v1+s26+$0x0], $0xffff;
	_ =	sdelay $0x4  }
0xfa: {  	[tilespmem:s18+$0x13810] =	vst v1;
	v1 =	vld [tilespmem:s18+$0x30];
	_ =	sdelay $0x1  }
0xfb: {  	v0 =	vld.idx.msk [tilespmem:v0+s26+$0x0], $0xffff;
	_ =	sdelay $0x4  }
0xfc: {  	[tilespmem:s18+$0x13820] =	vst v0;
	v0 =	vld [tilespmem:s18+$0x40]  }
0xfd: {  	v1 =	vld.idx.msk [tilespmem:v1+s26+$0x0], $0xffff;
	_ =	sdelay $0x4  }
0xfe: {  	[tilespmem:s18+$0x13830] =	vst v1;
	v1 =	vld [tilespmem:s18+$0x50];
	_ =	sdelay $0x1  }
0xff: {  	v0 =	vld.idx.msk [tilespmem:v0+s26+$0x0], $0xffff;
	_ =	sdelay $0x4  }
0x100: {  	[tilespmem:s18+$0x13840] =	vst v0;
	v0 =	vld [tilespmem:s18+$0x60]  }
0x101: {  	v1 =	vld.idx.msk [tilespmem:v1+s26+$0x0], $0xffff;
	_ =	sdelay $0x4  }
0x102: {  	[tilespmem:s18+$0x13850] =	vst v1;
	v1 =	vld [tilespmem:s18+$0x70];
	_ =	sdelay $0x1  }
0x103: {  	v0 =	vld.idx.msk [tilespmem:v0+s26+$0x0], $0xffff;
	_ =	sdelay $0x4  }
0x104: {  	[tilespmem:s18+$0x13860] =	vst v0;
	v0 =	vld [tilespmem:s18+$0x80]  }
0x105: {  	v1 =	vld.idx.msk [tilespmem:v1+s26+$0x0], $0xffff;
	_ =	sdelay $0x4  }
0x106: {  	[tilespmem:s18+$0x13870] =	vst v1;
	v1 =	vld [tilespmem:s18+$0x90];
	_ =	sdelay $0x1  }
0x107: {  	v0 =	vld.idx.msk [tilespmem:v0+s26+$0x0], $0xffff;
	_ =	sdelay $0x4  }
0x108: {  	[tilespmem:s18+$0x13880] =	vst v0;
	v0 =	vld [tilespmem:s18+$0xA0]  }
0x109: {  	v1 =	vld.idx.msk [tilespmem:v1+s26+$0x0], $0xffff;
	_ =	sdelay $0x4  }
0x10a: {  	[tilespmem:s18+$0x13890] =	vst v1;
	v1 =	vld [tilespmem:s18+$0xB0];
	_ =	sdelay $0x1  }
0x10b: {  	v0 =	vld.idx.msk [tilespmem:v0+s26+$0x0], $0xffff;
	_ =	sdelay $0x4  }
0x10c: {  	[tilespmem:s18+$0x138A0] =	vst v0;
	v0 =	vld [tilespmem:s18+$0xC0]  }
0x10d: {  	v1 =	vld.idx.msk [tilespmem:v1+s26+$0x0], $0xffff;
	_ =	sdelay $0x4  }
0x10e: {  	[tilespmem:s18+$0x138B0] =	vst v1;
	v1 =	vld [tilespmem:s18+$0xD0];
	_ =	sdelay $0x1  }
0x10f: {  	v0 =	vld.idx.msk [tilespmem:v0+s26+$0x0], $0xffff;
	_ =	sdelay $0x4  }
0x110: {  	v2 =	vld [tilespmem:s18+$0xE0];
	[tilespmem:s18+$0x138C0] =	vst v0  }
0x111: {  	v0 =	vld.idx.msk [tilespmem:v1+s26+$0x0], $0xffff;
	_ =	sdelay $0x4  }
0x112: {  	[tilespmem:s18+$0x138D0] =	vst v0;
	v0 =	vld [tilespmem:s18+$0xF0];
	_ =	sdelay $0x1  }
0x113: {  	v1 =	vld.idx.msk [tilespmem:v2+s26+$0x0], $0xffff;
	_ =	sdelay $0x1  }
0x114: {  	s21 =	sor.u32 $0x1, s15  }
0x115: {  	s16 =	sor.u32 s6, s21;
	s11 =	sshll.u32 s21, $0x7  }
0x116: {  	s19 =	simm.s32 $0x800;
	s21 =	simm.s32 $0x100;
	s17 =	sand.u32 $0x280, s11  }
.LBB2_7:
0x117: {  	p1 =	sne.s32 s19, $0x3C00;
	v2 =	vld [tilespmem:s21+$0x0];
	[tilespmem:s18+$0x138E0] =	vst v1  }
0x118: {  	v0 =	vld.idx.msk [tilespmem:v0+s26+$0x0], $0xffff;
	_ =	sdelay $0x5  }
0x119: {  	v1 =	vld [tilespmem:s21+$0x10];
	[tilespmem:s18+$0x138F0] =	vst v0;
	s18 =	smov.u32 s21  }
0x11a: {  	v0 =	vld.idx.msk [tilespmem:v2+s26+$0x0], $0xffff;
	_ =	sdelay $0x5  }
0x11b: {  	[tilespmem:s18+$0x13800] =	vst v0;
	v0 =	vld [tilespmem:s18+$0x20]  }
0x11c: {  	v1 =	vld.idx.msk [tilespmem:v1+s26+$0x0], $0xffff;
	_ =	sdelay $0x5  }
0x11d: {  	[tilespmem:s18+$0x13810] =	vst v1;
	v1 =	vld [tilespmem:s18+$0x30]  }
0x11e: {  	v0 =	vld.idx.msk [tilespmem:v0+s26+$0x0], $0xffff;
	_ =	sdelay $0x5  }
0x11f: {  	[tilespmem:s18+$0x13820] =	vst v0;
	v0 =	vld [tilespmem:s18+$0x40]  }
0x120: {  	v1 =	vld.idx.msk [tilespmem:v1+s26+$0x0], $0xffff;
	_ =	sdelay $0x5  }
0x121: {  	[tilespmem:s18+$0x13830] =	vst v1;
	v1 =	vld [tilespmem:s18+$0x50]  }
0x122: {  	v0 =	vld.idx.msk [tilespmem:v0+s26+$0x0], $0xffff;
	_ =	sdelay $0x5  }
0x123: {  	[tilespmem:s18+$0x13840] =	vst v0;
	v0 =	vld [tilespmem:s18+$0x60]  }
0x124: {  	v1 =	vld.idx.msk [tilespmem:v1+s26+$0x0], $0xffff;
	_ =	sdelay $0x5  }
0x125: {  	[tilespmem:s18+$0x13850] =	vst v1;
	v1 =	vld [tilespmem:s18+$0x70]  }
0x126: {  	v0 =	vld.idx.msk [tilespmem:v0+s26+$0x0], $0xffff;
	_ =	sdelay $0x5  }
0x127: {  	[tilespmem:s18+$0x13860] =	vst v0;
	v0 =	vld [tilespmem:s18+$0x80]  }
0x128: {  	v1 =	vld.idx.msk [tilespmem:v1+s26+$0x0], $0xffff;
	_ =	sdelay $0x5  }
0x129: {  	[tilespmem:s18+$0x13870] =	vst v1;
	v1 =	vld [tilespmem:s18+$0x90]  }
0x12a: {  	v0 =	vld.idx.msk [tilespmem:v0+s26+$0x0], $0xffff;
	_ =	sdelay $0x5  }
0x12b: {  	[tilespmem:s18+$0x13880] =	vst v0;
	v0 =	vld [tilespmem:s18+$0xA0]  }
0x12c: {  	v1 =	vld.idx.msk [tilespmem:v1+s26+$0x0], $0xffff;
	_ =	sdelay $0x5  }
0x12d: {  	[tilespmem:s18+$0x13890] =	vst v1;
	v1 =	vld [tilespmem:s18+$0xB0]  }
0x12e: {  	v0 =	vld.idx.msk [tilespmem:v0+s26+$0x0], $0xffff;
	_ =	sdelay $0x5  }
0x12f: {  	[tilespmem:s18+$0x138A0] =	vst v0;
	v0 =	vld [tilespmem:s18+$0xC0]  }
0x130: {  	v1 =	vld.idx.msk [tilespmem:v1+s26+$0x0], $0xffff;
	_ =	sdelay $0x5  }
0x131: {  	[tilespmem:s18+$0x138B0] =	vst v1;
	v1 =	vld [tilespmem:s18+$0xD0]  }
0x132: {  	v0 =	vld.idx.msk [tilespmem:v0+s26+$0x0], $0xffff;
	_ =	sdelay $0x5  }
0x133: {  	[tilespmem:s18+$0x138C0] =	vst v0;
	v2 =	vld [tilespmem:s18+$0xE0]  }
0x134: {  	v0 =	vld.idx.msk [tilespmem:v1+s26+$0x0], $0xffff;
	_ =	sdelay $0x5  }
0x135: {  	[tilespmem:s18+$0x138D0] =	vst v0;
	v0 =	vld [tilespmem:s18+$0xF0]  }
0x136: {  	v1 =	vld.idx.msk [tilespmem:v2+s26+$0x0], $0xffff  }
.Ltmp2:
0x137: {  	(pc) =	sbr.rel @p1 .LBB2_7-.Ltmp2, $2  }
0x138: {  	_ =	sdelay $0x2  }
0x139: {  	s21 =	sshra.s32 s19, $0x2;
	s19 =	sadd.s32 $0x400, s19  }
0x13a: {  	_ =	sdelay $0x1  }
0x13b: {  	v2 =	vld [tilespmem:s21+$0x0]  }
0x13c: {  	[tilespmem:s18+$0x138E0] =	vst v1  }
0x13d: {  	v0 =	vld.idx.msk [tilespmem:v0+s26+$0x0], $0xffff;
	_ =	sdelay $0x3  }
0x13e: {  	v1 =	vld [tilespmem:s21+$0x10]  }
0x13f: {  	[tilespmem:s18+$0x138F0] =	vst v0  }
0x140: {  	v0 =	vld.idx.msk [tilespmem:v2+s26+$0x0], $0xffff;
	_ =	sdelay $0x4  }
0x141: {  	[tilespmem:s21+$0x13800] =	vst v0;
	v0 =	vld [tilespmem:s21+$0x20]  }
0x142: {  	v1 =	vld.idx.msk [tilespmem:v1+s26+$0x0], $0xffff;
	_ =	sdelay $0x4  }
0x143: {  	[tilespmem:s21+$0x13810] =	vst v1;
	v1 =	vld [tilespmem:s21+$0x30];
	_ =	sdelay $0x1  }
0x144: {  	v0 =	vld.idx.msk [tilespmem:v0+s26+$0x0], $0xffff;
	_ =	sdelay $0x4  }
0x145: {  	[tilespmem:s21+$0x13820] =	vst v0;
	v0 =	vld [tilespmem:s21+$0x40]  }
0x146: {  	v1 =	vld.idx.msk [tilespmem:v1+s26+$0x0], $0xffff;
	_ =	sdelay $0x4  }
0x147: {  	[tilespmem:s21+$0x13830] =	vst v1;
	v1 =	vld [tilespmem:s21+$0x50];
	_ =	sdelay $0x1  }
0x148: {  	v0 =	vld.idx.msk [tilespmem:v0+s26+$0x0], $0xffff;
	_ =	sdelay $0x4  }
0x149: {  	[tilespmem:s21+$0x13840] =	vst v0;
	v0 =	vld [tilespmem:s21+$0x60]  }
0x14a: {  	v1 =	vld.idx.msk [tilespmem:v1+s26+$0x0], $0xffff;
	_ =	sdelay $0x4  }
0x14b: {  	[tilespmem:s21+$0x13850] =	vst v1;
	v1 =	vld [tilespmem:s21+$0x70];
	_ =	sdelay $0x1  }
0x14c: {  	v0 =	vld.idx.msk [tilespmem:v0+s26+$0x0], $0xffff;
	_ =	sdelay $0x4  }
0x14d: {  	[tilespmem:s21+$0x13860] =	vst v0;
	v0 =	vld [tilespmem:s21+$0x80]  }
0x14e: {  	v1 =	vld.idx.msk [tilespmem:v1+s26+$0x0], $0xffff;
	_ =	sdelay $0x4  }
0x14f: {  	[tilespmem:s21+$0x13870] =	vst v1;
	v1 =	vld [tilespmem:s21+$0x90];
	_ =	sdelay $0x1  }
0x150: {  	v0 =	vld.idx.msk [tilespmem:v0+s26+$0x0], $0xffff;
	_ =	sdelay $0x4  }
0x151: {  	[tilespmem:s21+$0x13880] =	vst v0;
	v0 =	vld [tilespmem:s21+$0xA0]  }
0x152: {  	v1 =	vld.idx.msk [tilespmem:v1+s26+$0x0], $0xffff;
	_ =	sdelay $0x4  }
0x153: {  	[tilespmem:s21+$0x13890] =	vst v1;
	v1 =	vld [tilespmem:s21+$0xB0];
	_ =	sdelay $0x1  }
0x154: {  	v0 =	vld.idx.msk [tilespmem:v0+s26+$0x0], $0xffff;
	_ =	sdelay $0x4  }
0x155: {  	[tilespmem:s21+$0x138A0] =	vst v0;
	v0 =	vld [tilespmem:s21+$0xC0]  }
0x156: {  	v1 =	vld.idx.msk [tilespmem:v1+s26+$0x0], $0xffff;
	_ =	sdelay $0x4  }
0x157: {  	[tilespmem:s21+$0x138B0] =	vst v1;
	v1 =	vld [tilespmem:s21+$0xD0];
	_ =	sdelay $0x1  }
0x158: {  	v0 =	vld.idx.msk [tilespmem:v0+s26+$0x0], $0xffff;
	_ =	sdelay $0x4  }
0x159: {  	[tilespmem:s21+$0x138C0] =	vst v0;
	v0 =	vld [tilespmem:s21+$0xE0]  }
0x15a: {  	v1 =	vld.idx.msk [tilespmem:v1+s26+$0x0], $0xffff;
	_ =	sdelay $0x4  }
0x15b: {  	[tilespmem:s21+$0x138D0] =	vst v1;
	v1 =	vld [tilespmem:s21+$0xF0];
	_ =	sdelay $0x1  }
0x15c: {  	v0 =	vld.idx.msk [tilespmem:v0+s26+$0x0], $0xffff;
	_ =	sdelay $0x4  }
0x15d: {  	s11 =	sadd.s32 @!p0 $0x4, s16;
	[tilespmem:s21+$0x138E0] =	vst v0  }
0x15e: {  	s18 =	sshll.u32 @!p0 s11, $0xE;
	v0 =	vld.idx.msk [tilespmem:v1+s26+$0x0], $0xffff  }
0x15f: {  	s11 =	sshll.u32 @!p0 s11, $0x7;
	s18 =	sand.u32 @!p0 $0x7FFE0000, s18  }
0x160: {  	s11 =	sand.u32 @!p0 $0x280, s11;
	s18 =	sadd.s32 @!p0 s9, s18  }
0x161: {  	s11 =	sor.u32 @!p0 s11, s18  }
0x162: {  	s19 =	simm.s32 @!p0 $0x400;
	s11 =	sshrl.u32 @!p0 s11, $0x3  }
0x163: {  	s18 =	simm.s32 @!p0 $0x80;
	s11 =	sadd.s32 @!p0 s0, s11;
	[tilespmem:s21+$0x138F0] =	vst v0;
	s21 =	simm.s32 @!p0 $0x6800  }
0x164: {  	[tilespmem:s21], [sflag:$0x3] =	stream.strided.gather @!p0 [hbm4b:s11+s18], $0x4000, s19, s18, $0x38;
	[tilespmem:$0x14800] =	vst v63  }
0x165: {  	s18 =	sshll.u32 s16, $0xC  }
0x166: {  	s11 =	sand.u32 $0xF8000, s18  }
0x167: {  	s11 =	sor.u32 s11, s17  }
0x168: {  	s11 =	sor.u32 s20, s11  }
0x169: {  	s11 =	sshrl.u32 s11, $0x3  }
0x16a: {  	s11 =	sadd.s32 s3, s11  }
0x16b: {  	[hbm4b:s11+s22] =	stream.strided.scatter [tilespmem:s31], [sflag:$0x7], $0x1000, s23, s22, $0x38;
	[tilespmem:$0x14800] =	vst v63  }
0x16c: {  	_ =	swait.ge [sflag:s1], $0x4000  }
0x16d: {  	[sflag:s1] =	ssyncset.done $0x0  }
0x16e: {  	[sflag:s1] =	ssyncadd.s32 $0xFFFFC000  }
0x16f: {  	_ =	swait.ge [sflag:s7], $0x1000  }
0x170: {  	[sflag:s7] =	ssyncset.done $0x0  }
0x171: {  	s18 =	simm.s32 $0x0;
	[sflag:s7] =	ssyncadd.s32 $0xFFFFF000  }
0x172: {  	v0 =	vld [tilespmem:s18+$0x0];
	_ =	sdelay $0x5  }
0x173: {  	v1 =	vld [tilespmem:s18+$0x10];
	_ =	sdelay $0x1  }
0x174: {  	v0 =	vld.idx.msk [tilespmem:v0+s28+$0x0], $0xffff;
	_ =	sdelay $0x4  }
0x175: {  	[tilespmem:s18+$0x12800] =	vst v0;
	v0 =	vld [tilespmem:s18+$0x20]  }
0x176: {  	v1 =	vld.idx.msk [tilespmem:v1+s28+$0x0], $0xffff;
	_ =	sdelay $0x4  }
0x177: {  	[tilespmem:s18+$0x12810] =	vst v1;
	v1 =	vld [tilespmem:s18+$0x30];
	_ =	sdelay $0x1  }
0x178: {  	v0 =	vld.idx.msk [tilespmem:v0+s28+$0x0], $0xffff;
	_ =	sdelay $0x4  }
0x179: {  	[tilespmem:s18+$0x12820] =	vst v0;
	v0 =	vld [tilespmem:s18+$0x40]  }
0x17a: {  	v1 =	vld.idx.msk [tilespmem:v1+s28+$0x0], $0xffff;
	_ =	sdelay $0x4  }
0x17b: {  	[tilespmem:s18+$0x12830] =	vst v1;
	v1 =	vld [tilespmem:s18+$0x50];
	_ =	sdelay $0x1  }
0x17c: {  	v0 =	vld.idx.msk [tilespmem:v0+s28+$0x0], $0xffff;
	_ =	sdelay $0x4  }
0x17d: {  	[tilespmem:s18+$0x12840] =	vst v0;
	v0 =	vld [tilespmem:s18+$0x60]  }
0x17e: {  	v1 =	vld.idx.msk [tilespmem:v1+s28+$0x0], $0xffff;
	_ =	sdelay $0x4  }
0x17f: {  	[tilespmem:s18+$0x12850] =	vst v1;
	v1 =	vld [tilespmem:s18+$0x70];
	_ =	sdelay $0x1  }
0x180: {  	v0 =	vld.idx.msk [tilespmem:v0+s28+$0x0], $0xffff;
	_ =	sdelay $0x4  }
0x181: {  	[tilespmem:s18+$0x12860] =	vst v0;
	v0 =	vld [tilespmem:s18+$0x80]  }
0x182: {  	v1 =	vld.idx.msk [tilespmem:v1+s28+$0x0], $0xffff;
	_ =	sdelay $0x4  }
0x183: {  	[tilespmem:s18+$0x12870] =	vst v1;
	v1 =	vld [tilespmem:s18+$0x90];
	_ =	sdelay $0x1  }
0x184: {  	v0 =	vld.idx.msk [tilespmem:v0+s28+$0x0], $0xffff;
	_ =	sdelay $0x4  }
0x185: {  	[tilespmem:s18+$0x12880] =	vst v0;
	v0 =	vld [tilespmem:s18+$0xA0]  }
0x186: {  	v1 =	vld.idx.msk [tilespmem:v1+s28+$0x0], $0xffff;
	_ =	sdelay $0x4  }
0x187: {  	[tilespmem:s18+$0x12890] =	vst v1;
	v1 =	vld [tilespmem:s18+$0xB0];
	_ =	sdelay $0x1  }
0x188: {  	v0 =	vld.idx.msk [tilespmem:v0+s28+$0x0], $0xffff;
	_ =	sdelay $0x4  }
0x189: {  	[tilespmem:s18+$0x128A0] =	vst v0;
	v0 =	vld [tilespmem:s18+$0xC0]  }
0x18a: {  	v1 =	vld.idx.msk [tilespmem:v1+s28+$0x0], $0xffff;
	_ =	sdelay $0x4  }
0x18b: {  	[tilespmem:s18+$0x128B0] =	vst v1;
	v1 =	vld [tilespmem:s18+$0xD0];
	_ =	sdelay $0x1  }
0x18c: {  	v0 =	vld.idx.msk [tilespmem:v0+s28+$0x0], $0xffff;
	_ =	sdelay $0x4  }
0x18d: {  	v2 =	vld [tilespmem:s18+$0xE0];
	[tilespmem:s18+$0x128C0] =	vst v0  }
0x18e: {  	v0 =	vld.idx.msk [tilespmem:v1+s28+$0x0], $0xffff;
	_ =	sdelay $0x3  }
0x18f: {  	s19 =	sor.u32 $0x2, s15  }
0x190: {  	s17 =	sor.u32 s6, s19;
	[tilespmem:s18+$0x128D0] =	vst v0;
	v0 =	vld [tilespmem:s18+$0xF0]  }
0x191: {  	s21 =	sshll.u32 s17, $0xC;
	s11 =	sshll.u32 s19, $0x7  }
0x192: {  	s16 =	sand.u32 $0xF8000, s21;
	s11 =	sand.u32 $0x300, s11;
	v1 =	vld.idx.msk [tilespmem:v2+s28+$0x0], $0xffff  }
0x193: {  	s11 =	sor.u32 s16, s11  }
0x194: {  	s11 =	sor.u32 s20, s11  }
0x195: {  	s11 =	sshrl.u32 s11, $0x3  }
0x196: {  	s21 =	simm.s32 $0x100;
	s19 =	simm.s32 $0x800;
	s16 =	sadd.s32 s3, s11  }
.LBB2_9:
0x197: {  	p1 =	sne.s32 s19, $0x3C00;
	v2 =	vld [tilespmem:s21+$0x0];
	[tilespmem:s18+$0x128E0] =	vst v1  }
0x198: {  	v0 =	vld.idx.msk [tilespmem:v0+s28+$0x0], $0xffff;
	_ =	sdelay $0x5  }
0x199: {  	v1 =	vld [tilespmem:s21+$0x10];
	[tilespmem:s18+$0x128F0] =	vst v0;
	s18 =	smov.u32 s21  }
0x19a: {  	v0 =	vld.idx.msk [tilespmem:v2+s28+$0x0], $0xffff;
	_ =	sdelay $0x5  }
0x19b: {  	[tilespmem:s18+$0x12800] =	vst v0;
	v0 =	vld [tilespmem:s18+$0x20]  }
0x19c: {  	v1 =	vld.idx.msk [tilespmem:v1+s28+$0x0], $0xffff;
	_ =	sdelay $0x5  }
0x19d: {  	[tilespmem:s18+$0x12810] =	vst v1;
	v1 =	vld [tilespmem:s18+$0x30]  }
0x19e: {  	v0 =	vld.idx.msk [tilespmem:v0+s28+$0x0], $0xffff;
	_ =	sdelay $0x5  }
0x19f: {  	[tilespmem:s18+$0x12820] =	vst v0;
	v0 =	vld [tilespmem:s18+$0x40]  }
0x1a0: {  	v1 =	vld.idx.msk [tilespmem:v1+s28+$0x0], $0xffff;
	_ =	sdelay $0x5  }
0x1a1: {  	[tilespmem:s18+$0x12830] =	vst v1;
	v1 =	vld [tilespmem:s18+$0x50]  }
0x1a2: {  	v0 =	vld.idx.msk [tilespmem:v0+s28+$0x0], $0xffff;
	_ =	sdelay $0x5  }
0x1a3: {  	[tilespmem:s18+$0x12840] =	vst v0;
	v0 =	vld [tilespmem:s18+$0x60]  }
0x1a4: {  	v1 =	vld.idx.msk [tilespmem:v1+s28+$0x0], $0xffff;
	_ =	sdelay $0x5  }
0x1a5: {  	[tilespmem:s18+$0x12850] =	vst v1;
	v1 =	vld [tilespmem:s18+$0x70]  }
0x1a6: {  	v0 =	vld.idx.msk [tilespmem:v0+s28+$0x0], $0xffff;
	_ =	sdelay $0x5  }
0x1a7: {  	[tilespmem:s18+$0x12860] =	vst v0;
	v0 =	vld [tilespmem:s18+$0x80]  }
0x1a8: {  	v1 =	vld.idx.msk [tilespmem:v1+s28+$0x0], $0xffff;
	_ =	sdelay $0x5  }
0x1a9: {  	[tilespmem:s18+$0x12870] =	vst v1;
	v1 =	vld [tilespmem:s18+$0x90]  }
0x1aa: {  	v0 =	vld.idx.msk [tilespmem:v0+s28+$0x0], $0xffff;
	_ =	sdelay $0x5  }
0x1ab: {  	[tilespmem:s18+$0x12880] =	vst v0;
	v0 =	vld [tilespmem:s18+$0xA0]  }
0x1ac: {  	v1 =	vld.idx.msk [tilespmem:v1+s28+$0x0], $0xffff;
	_ =	sdelay $0x5  }
0x1ad: {  	[tilespmem:s18+$0x12890] =	vst v1;
	v1 =	vld [tilespmem:s18+$0xB0]  }
0x1ae: {  	v0 =	vld.idx.msk [tilespmem:v0+s28+$0x0], $0xffff;
	_ =	sdelay $0x5  }
0x1af: {  	[tilespmem:s18+$0x128A0] =	vst v0;
	v0 =	vld [tilespmem:s18+$0xC0]  }
0x1b0: {  	v1 =	vld.idx.msk [tilespmem:v1+s28+$0x0], $0xffff;
	_ =	sdelay $0x5  }
0x1b1: {  	[tilespmem:s18+$0x128B0] =	vst v1;
	v1 =	vld [tilespmem:s18+$0xD0]  }
0x1b2: {  	v0 =	vld.idx.msk [tilespmem:v0+s28+$0x0], $0xffff;
	_ =	sdelay $0x5  }
0x1b3: {  	[tilespmem:s18+$0x128C0] =	vst v0;
	v2 =	vld [tilespmem:s18+$0xE0]  }
0x1b4: {  	v0 =	vld.idx.msk [tilespmem:v1+s28+$0x0], $0xffff;
	_ =	sdelay $0x5  }
0x1b5: {  	[tilespmem:s18+$0x128D0] =	vst v0;
	v0 =	vld [tilespmem:s18+$0xF0]  }
0x1b6: {  	v1 =	vld.idx.msk [tilespmem:v2+s28+$0x0], $0xffff  }
.Ltmp3:
0x1b7: {  	(pc) =	sbr.rel @p1 .LBB2_9-.Ltmp3, $2  }
0x1b8: {  	_ =	sdelay $0x2  }
0x1b9: {  	s21 =	sshra.s32 s19, $0x2;
	s19 =	sadd.s32 $0x400, s19  }
0x1ba: {  	_ =	sdelay $0x1  }
0x1bb: {  	v2 =	vld [tilespmem:s21+$0x0]  }
0x1bc: {  	[tilespmem:s18+$0x128E0] =	vst v1  }
0x1bd: {  	v0 =	vld.idx.msk [tilespmem:v0+s28+$0x0], $0xffff;
	_ =	sdelay $0x3  }
0x1be: {  	v1 =	vld [tilespmem:s21+$0x10]  }
0x1bf: {  	[tilespmem:s18+$0x128F0] =	vst v0  }
0x1c0: {  	v0 =	vld.idx.msk [tilespmem:v2+s28+$0x0], $0xffff;
	_ =	sdelay $0x4  }
0x1c1: {  	[tilespmem:s21+$0x12800] =	vst v0;
	v0 =	vld [tilespmem:s21+$0x20]  }
0x1c2: {  	v1 =	vld.idx.msk [tilespmem:v1+s28+$0x0], $0xffff;
	_ =	sdelay $0x4  }
0x1c3: {  	[tilespmem:s21+$0x12810] =	vst v1;
	v1 =	vld [tilespmem:s21+$0x30];
	_ =	sdelay $0x1  }
0x1c4: {  	v0 =	vld.idx.msk [tilespmem:v0+s28+$0x0], $0xffff;
	_ =	sdelay $0x4  }
0x1c5: {  	[tilespmem:s21+$0x12820] =	vst v0;
	v0 =	vld [tilespmem:s21+$0x40]  }
0x1c6: {  	v1 =	vld.idx.msk [tilespmem:v1+s28+$0x0], $0xffff;
	_ =	sdelay $0x4  }
0x1c7: {  	[tilespmem:s21+$0x12830] =	vst v1;
	v1 =	vld [tilespmem:s21+$0x50];
	_ =	sdelay $0x1  }
0x1c8: {  	v0 =	vld.idx.msk [tilespmem:v0+s28+$0x0], $0xffff;
	_ =	sdelay $0x4  }
0x1c9: {  	[tilespmem:s21+$0x12840] =	vst v0;
	v0 =	vld [tilespmem:s21+$0x60]  }
0x1ca: {  	v1 =	vld.idx.msk [tilespmem:v1+s28+$0x0], $0xffff;
	_ =	sdelay $0x4  }
0x1cb: {  	[tilespmem:s21+$0x12850] =	vst v1;
	v1 =	vld [tilespmem:s21+$0x70];
	_ =	sdelay $0x1  }
0x1cc: {  	v0 =	vld.idx.msk [tilespmem:v0+s28+$0x0], $0xffff;
	_ =	sdelay $0x4  }
0x1cd: {  	[tilespmem:s21+$0x12860] =	vst v0;
	v0 =	vld [tilespmem:s21+$0x80]  }
0x1ce: {  	v1 =	vld.idx.msk [tilespmem:v1+s28+$0x0], $0xffff;
	_ =	sdelay $0x4  }
0x1cf: {  	[tilespmem:s21+$0x12870] =	vst v1;
	v1 =	vld [tilespmem:s21+$0x90];
	_ =	sdelay $0x1  }
0x1d0: {  	v0 =	vld.idx.msk [tilespmem:v0+s28+$0x0], $0xffff;
	_ =	sdelay $0x4  }
0x1d1: {  	[tilespmem:s21+$0x12880] =	vst v0;
	v0 =	vld [tilespmem:s21+$0xA0]  }
0x1d2: {  	v1 =	vld.idx.msk [tilespmem:v1+s28+$0x0], $0xffff;
	_ =	sdelay $0x4  }
0x1d3: {  	[tilespmem:s21+$0x12890] =	vst v1;
	v1 =	vld [tilespmem:s21+$0xB0];
	_ =	sdelay $0x1  }
0x1d4: {  	v0 =	vld.idx.msk [tilespmem:v0+s28+$0x0], $0xffff;
	_ =	sdelay $0x4  }
0x1d5: {  	[tilespmem:s21+$0x128A0] =	vst v0;
	v0 =	vld [tilespmem:s21+$0xC0]  }
0x1d6: {  	v1 =	vld.idx.msk [tilespmem:v1+s28+$0x0], $0xffff;
	_ =	sdelay $0x4  }
0x1d7: {  	[tilespmem:s21+$0x128B0] =	vst v1;
	v1 =	vld [tilespmem:s21+$0xD0];
	_ =	sdelay $0x1  }
0x1d8: {  	v0 =	vld.idx.msk [tilespmem:v0+s28+$0x0], $0xffff;
	_ =	sdelay $0x4  }
0x1d9: {  	[tilespmem:s21+$0x128C0] =	vst v0;
	v0 =	vld [tilespmem:s21+$0xE0]  }
0x1da: {  	v1 =	vld.idx.msk [tilespmem:v1+s28+$0x0], $0xffff;
	_ =	sdelay $0x4  }
0x1db: {  	[tilespmem:s21+$0x128D0] =	vst v1;
	v1 =	vld [tilespmem:s21+$0xF0];
	_ =	sdelay $0x1  }
0x1dc: {  	v0 =	vld.idx.msk [tilespmem:v0+s28+$0x0], $0xffff;
	_ =	sdelay $0x4  }
0x1dd: {  	s11 =	sadd.s32 @!p0 $0x4, s17;
	[tilespmem:s21+$0x128E0] =	vst v0  }
0x1de: {  	s17 =	sshll.u32 @!p0 s11, $0xE;
	v0 =	vld.idx.msk [tilespmem:v1+s28+$0x0], $0xffff  }
0x1df: {  	s11 =	sshll.u32 @!p0 s11, $0x7;
	s17 =	sand.u32 @!p0 $0x7FFE0000, s17  }
0x1e0: {  	s11 =	sand.u32 @!p0 $0x300, s11;
	s17 =	sadd.s32 @!p0 s9, s17  }
0x1e1: {  	s11 =	sor.u32 @!p0 s11, s17  }
0x1e2: {  	s19 =	simm.s32 @!p0 $0xA800;
	s11 =	sshrl.u32 @!p0 s11, $0x3  }
0x1e3: {  	s17 =	simm.s32 @!p0 $0x80;
	s11 =	sadd.s32 @!p0 s0, s11;
	s18 =	simm.s32 @!p0 $0x400;
	[tilespmem:s21+$0x128F0] =	vst v0  }
0x1e4: {  	[tilespmem:s19], [sflag:$0x4] =	stream.strided.gather @!p0 [hbm4b:s11+s17], $0x4000, s18, s17, $0x38;
	[tilespmem:$0x14800] =	vst v63  }
0x1e5: {  	_ = 	snop  }
0x1e6: {  	[hbm4b:s16+s22] =	stream.strided.scatter [tilespmem:s4], [sflag:$0x6], $0x1000, s23, s22, $0x38;
	[tilespmem:$0x14800] =	vst v63  }
0x1e7: {  	_ =	swait.ge [sflag:s8], $0x4000  }
0x1e8: {  	[sflag:s8] =	ssyncset.done $0x0  }
0x1e9: {  	[sflag:s8] =	ssyncadd.s32 $0xFFFFC000  }
0x1ea: {  	_ =	swait.ge [sflag:s10], $0x1000  }
0x1eb: {  	[sflag:s10] =	ssyncset.done $0x0  }
0x1ec: {  	s17 =	simm.s32 $0x0;
	[sflag:s10] =	ssyncadd.s32 $0xFFFFF000  }
0x1ed: {  	v0 =	vld [tilespmem:s17+$0x0];
	_ =	sdelay $0x5  }
0x1ee: {  	v1 =	vld [tilespmem:s17+$0x10];
	_ =	sdelay $0x1  }
0x1ef: {  	v0 =	vld.idx.msk [tilespmem:v0+s29+$0x0], $0xffff;
	_ =	sdelay $0x4  }
0x1f0: {  	[tilespmem:s17+$0x13800] =	vst v0;
	v0 =	vld [tilespmem:s17+$0x20]  }
0x1f1: {  	v1 =	vld.idx.msk [tilespmem:v1+s29+$0x0], $0xffff;
	_ =	sdelay $0x4  }
0x1f2: {  	[tilespmem:s17+$0x13810] =	vst v1;
	v1 =	vld [tilespmem:s17+$0x30];
	_ =	sdelay $0x1  }
0x1f3: {  	v0 =	vld.idx.msk [tilespmem:v0+s29+$0x0], $0xffff;
	_ =	sdelay $0x4  }
0x1f4: {  	[tilespmem:s17+$0x13820] =	vst v0;
	v0 =	vld [tilespmem:s17+$0x40]  }
0x1f5: {  	v1 =	vld.idx.msk [tilespmem:v1+s29+$0x0], $0xffff;
	_ =	sdelay $0x4  }
0x1f6: {  	[tilespmem:s17+$0x13830] =	vst v1;
	v1 =	vld [tilespmem:s17+$0x50];
	_ =	sdelay $0x1  }
0x1f7: {  	v0 =	vld.idx.msk [tilespmem:v0+s29+$0x0], $0xffff;
	_ =	sdelay $0x4  }
0x1f8: {  	[tilespmem:s17+$0x13840] =	vst v0;
	v0 =	vld [tilespmem:s17+$0x60]  }
0x1f9: {  	v1 =	vld.idx.msk [tilespmem:v1+s29+$0x0], $0xffff;
	_ =	sdelay $0x4  }
0x1fa: {  	[tilespmem:s17+$0x13850] =	vst v1;
	v1 =	vld [tilespmem:s17+$0x70];
	_ =	sdelay $0x1  }
0x1fb: {  	v0 =	vld.idx.msk [tilespmem:v0+s29+$0x0], $0xffff;
	_ =	sdelay $0x4  }
0x1fc: {  	[tilespmem:s17+$0x13860] =	vst v0;
	v0 =	vld [tilespmem:s17+$0x80]  }
0x1fd: {  	v1 =	vld.idx.msk [tilespmem:v1+s29+$0x0], $0xffff;
	_ =	sdelay $0x4  }
0x1fe: {  	[tilespmem:s17+$0x13870] =	vst v1;
	v1 =	vld [tilespmem:s17+$0x90];
	_ =	sdelay $0x1  }
0x1ff: {  	v0 =	vld.idx.msk [tilespmem:v0+s29+$0x0], $0xffff;
	_ =	sdelay $0x4  }
0x200: {  	[tilespmem:s17+$0x13880] =	vst v0;
	v0 =	vld [tilespmem:s17+$0xA0]  }
0x201: {  	v1 =	vld.idx.msk [tilespmem:v1+s29+$0x0], $0xffff;
	_ =	sdelay $0x4  }
0x202: {  	[tilespmem:s17+$0x13890] =	vst v1;
	v1 =	vld [tilespmem:s17+$0xB0];
	_ =	sdelay $0x1  }
0x203: {  	v0 =	vld.idx.msk [tilespmem:v0+s29+$0x0], $0xffff;
	_ =	sdelay $0x4  }
0x204: {  	[tilespmem:s17+$0x138A0] =	vst v0;
	v0 =	vld [tilespmem:s17+$0xC0]  }
0x205: {  	v1 =	vld.idx.msk [tilespmem:v1+s29+$0x0], $0xffff;
	_ =	sdelay $0x4  }
0x206: {  	[tilespmem:s17+$0x138B0] =	vst v1;
	v1 =	vld [tilespmem:s17+$0xD0];
	_ =	sdelay $0x1  }
0x207: {  	v0 =	vld.idx.msk [tilespmem:v0+s29+$0x0], $0xffff;
	_ =	sdelay $0x4  }
0x208: {  	v2 =	vld [tilespmem:s17+$0xE0];
	[tilespmem:s17+$0x138C0] =	vst v0  }
0x209: {  	v0 =	vld.idx.msk [tilespmem:v1+s29+$0x0], $0xffff;
	_ =	sdelay $0x3  }
0x20a: {  	s19 =	sor.u32 $0x3, s15  }
0x20b: {  	s16 =	sor.u32 s6, s19;
	[tilespmem:s17+$0x138D0] =	vst v0;
	v0 =	vld [tilespmem:s17+$0xF0]  }
0x20c: {  	s11 =	sshll.u32 s19, $0x7;
	s21 =	sshll.u32 s16, $0xC  }
0x20d: {  	s11 =	sand.u32 $0x380, s11;
	s15 =	sand.u32 $0xF8000, s21;
	v1 =	vld.idx.msk [tilespmem:v2+s29+$0x0], $0xffff  }
0x20e: {  	s11 =	sor.u32 s15, s11  }
0x20f: {  	s11 =	sor.u32 s20, s11  }
0x210: {  	s11 =	sshrl.u32 s11, $0x3  }
0x211: {  	s18 =	simm.s32 $0x800;
	s19 =	simm.s32 $0x100;
	s15 =	sadd.s32 s3, s11  }
.LBB2_11:
0x212: {  	p1 =	sne.s32 s18, $0x3C00;
	v2 =	vld [tilespmem:s19+$0x0];
	[tilespmem:s17+$0x138E0] =	vst v1  }
0x213: {  	v0 =	vld.idx.msk [tilespmem:v0+s29+$0x0], $0xffff;
	_ =	sdelay $0x5  }
0x214: {  	v1 =	vld [tilespmem:s19+$0x10];
	[tilespmem:s17+$0x138F0] =	vst v0;
	s17 =	smov.u32 s19  }
0x215: {  	v0 =	vld.idx.msk [tilespmem:v2+s29+$0x0], $0xffff;
	_ =	sdelay $0x5  }
0x216: {  	[tilespmem:s17+$0x13800] =	vst v0;
	v0 =	vld [tilespmem:s17+$0x20]  }
0x217: {  	v1 =	vld.idx.msk [tilespmem:v1+s29+$0x0], $0xffff;
	_ =	sdelay $0x5  }
0x218: {  	[tilespmem:s17+$0x13810] =	vst v1;
	v1 =	vld [tilespmem:s17+$0x30]  }
0x219: {  	v0 =	vld.idx.msk [tilespmem:v0+s29+$0x0], $0xffff;
	_ =	sdelay $0x5  }
0x21a: {  	[tilespmem:s17+$0x13820] =	vst v0;
	v0 =	vld [tilespmem:s17+$0x40]  }
0x21b: {  	v1 =	vld.idx.msk [tilespmem:v1+s29+$0x0], $0xffff;
	_ =	sdelay $0x5  }
0x21c: {  	[tilespmem:s17+$0x13830] =	vst v1;
	v1 =	vld [tilespmem:s17+$0x50]  }
0x21d: {  	v0 =	vld.idx.msk [tilespmem:v0+s29+$0x0], $0xffff;
	_ =	sdelay $0x5  }
0x21e: {  	[tilespmem:s17+$0x13840] =	vst v0;
	v0 =	vld [tilespmem:s17+$0x60]  }
0x21f: {  	v1 =	vld.idx.msk [tilespmem:v1+s29+$0x0], $0xffff;
	_ =	sdelay $0x5  }
0x220: {  	[tilespmem:s17+$0x13850] =	vst v1;
	v1 =	vld [tilespmem:s17+$0x70]  }
0x221: {  	v0 =	vld.idx.msk [tilespmem:v0+s29+$0x0], $0xffff;
	_ =	sdelay $0x5  }
0x222: {  	[tilespmem:s17+$0x13860] =	vst v0;
	v0 =	vld [tilespmem:s17+$0x80]  }
0x223: {  	v1 =	vld.idx.msk [tilespmem:v1+s29+$0x0], $0xffff;
	_ =	sdelay $0x5  }
0x224: {  	[tilespmem:s17+$0x13870] =	vst v1;
	v1 =	vld [tilespmem:s17+$0x90]  }
0x225: {  	v0 =	vld.idx.msk [tilespmem:v0+s29+$0x0], $0xffff;
	_ =	sdelay $0x5  }
0x226: {  	[tilespmem:s17+$0x13880] =	vst v0;
	v0 =	vld [tilespmem:s17+$0xA0]  }
0x227: {  	v1 =	vld.idx.msk [tilespmem:v1+s29+$0x0], $0xffff;
	_ =	sdelay $0x5  }
0x228: {  	[tilespmem:s17+$0x13890] =	vst v1;
	v1 =	vld [tilespmem:s17+$0xB0]  }
0x229: {  	v0 =	vld.idx.msk [tilespmem:v0+s29+$0x0], $0xffff;
	_ =	sdelay $0x5  }
0x22a: {  	[tilespmem:s17+$0x138A0] =	vst v0;
	v0 =	vld [tilespmem:s17+$0xC0]  }
0x22b: {  	v1 =	vld.idx.msk [tilespmem:v1+s29+$0x0], $0xffff;
	_ =	sdelay $0x5  }
0x22c: {  	[tilespmem:s17+$0x138B0] =	vst v1;
	v1 =	vld [tilespmem:s17+$0xD0]  }
0x22d: {  	v0 =	vld.idx.msk [tilespmem:v0+s29+$0x0], $0xffff;
	_ =	sdelay $0x5  }
0x22e: {  	[tilespmem:s17+$0x138C0] =	vst v0;
	v2 =	vld [tilespmem:s17+$0xE0]  }
0x22f: {  	v0 =	vld.idx.msk [tilespmem:v1+s29+$0x0], $0xffff;
	_ =	sdelay $0x5  }
0x230: {  	[tilespmem:s17+$0x138D0] =	vst v0;
	v0 =	vld [tilespmem:s17+$0xF0]  }
0x231: {  	v1 =	vld.idx.msk [tilespmem:v2+s29+$0x0], $0xffff  }
.Ltmp4:
0x232: {  	(pc) =	sbr.rel @p1 .LBB2_11-.Ltmp4, $2  }
0x233: {  	_ =	sdelay $0x2  }
0x234: {  	s19 =	sshra.s32 s18, $0x2;
	s18 =	sadd.s32 $0x400, s18  }
0x235: {  	_ =	sdelay $0x1  }
0x236: {  	v2 =	vld [tilespmem:s19+$0x0]  }
0x237: {  	[tilespmem:s17+$0x138E0] =	vst v1  }
0x238: {  	v0 =	vld.idx.msk [tilespmem:v0+s29+$0x0], $0xffff;
	_ =	sdelay $0x3  }
0x239: {  	v1 =	vld [tilespmem:s19+$0x10]  }
0x23a: {  	[tilespmem:s17+$0x138F0] =	vst v0  }
0x23b: {  	v0 =	vld.idx.msk [tilespmem:v2+s29+$0x0], $0xffff;
	_ =	sdelay $0x3  }
0x23c: {  	v50 =	vld [tilespmem:s19+$0x20]  }
0x23d: {  	[tilespmem:s19+$0x13800] =	vst v0  }
0x23e: {  	v1 =	vld.idx.msk [tilespmem:v1+s29+$0x0], $0xffff;
	_ =	sdelay $0x3  }
0x23f: {  	v51 =	vld [tilespmem:s19+$0x30]  }
0x240: {  	[tilespmem:s19+$0x13810] =	vst v1  }
0x241: {  	v0 =	vld.idx.msk [tilespmem:v50+s29+$0x0], $0xffff;
	_ =	sdelay $0x3  }
0x242: {  	v52 =	vld [tilespmem:s19+$0x40]  }
0x243: {  	[tilespmem:s19+$0x13820] =	vst v0  }
0x244: {  	v1 =	vld.idx.msk [tilespmem:v51+s29+$0x0], $0xffff;
	_ =	sdelay $0x3  }
0x245: {  	v53 =	vld [tilespmem:s19+$0x50]  }
0x246: {  	[tilespmem:s19+$0x13830] =	vst v1  }
0x247: {  	v0 =	vld.idx.msk [tilespmem:v52+s29+$0x0], $0xffff;
	_ =	sdelay $0x3  }
0x248: {  	v54 =	vld [tilespmem:s19+$0x60]  }
0x249: {  	[tilespmem:s19+$0x13840] =	vst v0  }
0x24a: {  	v1 =	vld.idx.msk [tilespmem:v53+s29+$0x0], $0xffff;
	_ =	sdelay $0x3  }
0x24b: {  	v55 =	vld [tilespmem:s19+$0x70]  }
0x24c: {  	[tilespmem:s19+$0x13850] =	vst v1  }
0x24d: {  	v0 =	vld.idx.msk [tilespmem:v54+s29+$0x0], $0xffff;
	_ =	sdelay $0x3  }
0x24e: {  	v56 =	vld [tilespmem:s19+$0x80]  }
0x24f: {  	[tilespmem:s19+$0x13860] =	vst v0  }
0x250: {  	v1 =	vld.idx.msk [tilespmem:v55+s29+$0x0], $0xffff;
	_ =	sdelay $0x3  }
0x251: {  	v57 =	vld [tilespmem:s19+$0x90]  }
0x252: {  	[tilespmem:s19+$0x13870] =	vst v1  }
0x253: {  	v0 =	vld.idx.msk [tilespmem:v56+s29+$0x0], $0xffff;
	_ =	sdelay $0x3  }
0x254: {  	v58 =	vld [tilespmem:s19+$0xA0]  }
0x255: {  	[tilespmem:s19+$0x13880] =	vst v0  }
0x256: {  	v1 =	vld.idx.msk [tilespmem:v57+s29+$0x0], $0xffff;
	_ =	sdelay $0x3  }
0x257: {  	v59 =	vld [tilespmem:s19+$0xB0]  }
0x258: {  	[tilespmem:s19+$0x13890] =	vst v1  }
0x259: {  	v0 =	vld.idx.msk [tilespmem:v58+s29+$0x0], $0xffff;
	_ =	sdelay $0x3  }
0x25a: {  	v60 =	vld [tilespmem:s19+$0xC0]  }
0x25b: {  	[tilespmem:s19+$0x138A0] =	vst v0  }
0x25c: {  	v1 =	vld.idx.msk [tilespmem:v59+s29+$0x0], $0xffff;
	_ =	sdelay $0x3  }
0x25d: {  	v61 =	vld [tilespmem:s19+$0xD0]  }
0x25e: {  	[tilespmem:s19+$0x138B0] =	vst v1  }
0x25f: {  	v0 =	vld.idx.msk [tilespmem:v60+s29+$0x0], $0xffff;
	_ =	sdelay $0x3  }
0x260: {  	v62 =	vld [tilespmem:s19+$0xE0]  }
0x261: {  	[tilespmem:s19+$0x138C0] =	vst v0  }
0x262: {  	v1 =	vld.idx.msk [tilespmem:v61+s29+$0x0], $0xffff;
	_ =	sdelay $0x3  }
0x263: {  	v63 =	vld [tilespmem:s19+$0xF0]  }
0x264: {  	[tilespmem:s19+$0x138D0] =	vst v1  }
0x265: {  	v0 =	vld.idx.msk [tilespmem:v62+s29+$0x0], $0xffff;
	_ =	sdelay $0x4  }
0x266: {  	s11 =	sadd.s32 @!p0 $0x4, s16;
	[tilespmem:s19+$0x138E0] =	vst v0  }
0x267: {  	s16 =	sshll.u32 @!p0 s11, $0xE;
	v0 =	vld.idx.msk [tilespmem:v63+s29+$0x0], $0xffff  }
0x268: {  	s11 =	sshll.u32 @!p0 s11, $0x7;
	s16 =	sand.u32 @!p0 $0x7FFE0000, s16  }
0x269: {  	s11 =	sand.u32 @!p0 $0x380, s11;
	s16 =	sadd.s32 @!p0 s9, s16  }
0x26a: {  	s11 =	sor.u32 @!p0 s11, s16  }
0x26b: {  	s18 =	simm.s32 @!p0 $0xE800;
	s13 =	sadd.s32 $0x1, s13;
	s11 =	sshrl.u32 @!p0 s11, $0x3  }
0x26c: {  	s16 =	simm.s32 @!p0 $0x80;
	s11 =	sadd.s32 @!p0 s0, s11;
	s17 =	simm.s32 @!p0 $0x400;
	[tilespmem:s19+$0x138F0] =	vst v0  }
0x26d: {  	[tilespmem:s18], [sflag:$0x5] =	stream.strided.gather @!p0 [hbm4b:s11+s16], $0x4000, s17, s16, $0x38;
	[tilespmem:$0x14800] =	vst v63  }
0x26e: {  	p0 =	sne.s32 s13, $0x20  }
.Ltmp5:
0x26f: {  	_ = 	snop;
	(pc) =	sbr.rel @p0 .LBB2_4-.Ltmp5, $2  }
0x270: {  	_ =	sdelay $0x2  }
0x271: {  	[hbm4b:s15+s22] =	stream.strided.scatter [tilespmem:s31], [sflag:$0x7], $0x1000, s23, s22, $0x38;
	[tilespmem:$0x14800] =	vst v63  }
0x272: {  	_ =	swait.ge [sflag:s7], $0x1000  }
0x273: {  	[sflag:s7] =	ssyncset.done $0x0  }
0x274: {  	[sflag:s7] =	ssyncadd.s32 $0xFFFFF000  }
0x275: {  	_ =	swait.ge [sflag:s10], $0x1000  }
0x276: {  	[sflag:s10] =	ssyncset.done $0x0  }
0x277: {  	[sflag:s10] =	ssyncadd.s32 $0xFFFFF000  }
0x278: {  	_ =	swait.ge [sflag:s5], $0x800  }
0x279: {  	[sflag:s5] =	ssyncset.done $0x0  }
0x27a: {  	[sflag:s5] =	ssyncadd.s32 $0xFFFFF800  }
0x27b: {  	_ =	swait.ge [sflag:s5], $0x800  }
0x27c: {  	[sflag:s5] =	ssyncset.done $0x0  }
0x27d: {  	[sflag:s5] =	ssyncadd.s32 $0xFFFFF800  }
0x27e: {  	_ =	swait.ge [sflag:s5], $0x800  }
0x27f: {  	s12 =	sadd.s32 $0x1, s12;
	s11 =	rddreg [dreg:$0x11]  }
0x280: {  	p0 =	sne.s32 s12, s11  }
.Ltmp6:
0x281: {  	_ = 	snop;
	(pc) =	sbr.rel @p0 .LBB2_1-.Ltmp6, $3  }
0x282: {  	_ =	sdelay $0x1  }
0x283: {  	[sflag:s5] =	ssyncset.done $0x0  }
0x284: {  	[sflag:s5] =	ssyncadd.s32 $0xFFFFF800  }
0x285: {  	_ =	sfence.sel $0x180000  }
0x286: {  	[bflag:$0x0] =	sbarrier.arrive $0xFFFF  }
0x287: {  	_ =	strace $0x90000047  }
0x288: {  	s0 =	stileid.u32;
	[bflag:$0x2] =	sbarrier.arrive $0xFFFF  }
0x289: {  	p0 =	sne.s32 s0, $0x0;
	s0 =	rddreg [dreg:$0x5]  }
0x28a: {  	s0 =	sadd.s32 @!p0 $0x100000, s0  }
0x28b: {  	[sflag:s0] =	ssyncadd.tile.s32 @!p0 $0x1;
	_ =	shalt  }
.Lfunc_end2:
_tile_overlayer_lowered:
.L_overlay_start_2:
0x28c: {  	(tag) =	ssettag $0x2  }
0x28d: {  	s0 =	rddreg [dreg:$0x0];
	s2 =	stileid.u32  }
0x28e: {  	s1 =	rddreg [dreg:$0x1];
	p0 =	sne.s32 s2, $0x0  }
0x28f: {  	s3 =	rddreg [dreg:$0x2];
	[bflag:$0x3] =	sbarrier.arrive $0xFFFF;
	s2 =	simm.s32 @!p0 $0x1C08  }
0x290: {  	[timem:s3], [sflag:s2] =	dma.local @!p0 [hbm:s0], s1  }
0x291: {  	s0 =	simm.s32 @!p0 $0x8  }
0x292: {  	_ =	swait.ge @!p0 [sflag:s0], s1  }
0x293: {  	s1 =	ssub.s32 @!p0 $0x0, s1;
	[sflag:s0] =	ssyncset.done @!p0 $0x0  }
0x294: {  	[sflag:s0] =	ssyncadd.s32 @!p0 s1  }
0x295: {  	[bflag:$0x3] =	sbarrier.arrive $0xFFFF  }
0x296: {  	_ =	shalt  }

</sc_bundles>
